<compile_context>
chip_gen: v7x
topology: tpu7x:2x2x1
jax: 0.10.2.dev20260603
libtpu: 0.0.44.dev20260713+nightly
codegen_flags: <defaults>
</compile_context>

<pallas_src>
import functools

import jax
import jax.numpy as jnp
from jax import lax
from jax.experimental import pallas as pl
from jax.experimental.pallas import tpu as pltpu
from jax.experimental.pallas import tpu_sc as plsc

BATCH = 16384
D = 2048
L = 16
NC, NS = 2, 16
NW = NC * NS
ROWS_PER_W = BATCH // NW
RB = 8
BLK = RB * D
NBLK = ROWS_PER_W // RB
NCHUNK = D // L
NBUF = 2


def _permute_body(x_hbm, perm_hbm, out_hbm, perm_v,
                  in0, in1, out0, out1, isem0, isem1, osem0, osem1):
    ins, outs = [in0, in1], [out0, out1]
    isems, osems = [isem0, isem1], [osem0, osem1]

    wid = lax.axis_index("s") * NC + lax.axis_index("c")
    elem0 = wid * (ROWS_PER_W * D)
    pltpu.sync_copy(perm_hbm, perm_v)

    def start_in(b, s):
        pltpu.async_copy(x_hbm.at[pl.ds(elem0 + b * BLK, BLK)], ins[s], isems[s])

    def start_out(b, s):
        pltpu.async_copy(outs[s], out_hbm.at[pl.ds(elem0 + b * BLK, BLK)], osems[s])

    def wait_in(s):
        pltpu.make_async_copy(x_hbm.at[pl.ds(0, BLK)], ins[s], isems[s]).wait()

    def wait_out(s):
        pltpu.make_async_copy(outs[s], out_hbm.at[pl.ds(0, BLK)], osems[s]).wait()

    for s in range(NBUF):
        start_in(s, s)

    def outer(b0, carry):
        for s in range(NBUF):
            b = b0 + s
            wait_in(s)

            @pl.when(b0 > 0)
            def _():
                wait_out(s)

            def chunk(k, c2):
                idx = perm_v[pl.ds(k * L, L)]
                for r in range(RB):
                    outs[s][pl.ds(k * L + r * D, L)] = plsc.load_gather(
                        ins[s], [idx + r * D])
                return c2

            lax.fori_loop(0, NCHUNK, chunk, 0, unroll=2)
            start_out(b, s)

            @pl.when(b0 < NBLK - NBUF)
            def _():
                start_in(b + NBUF, s)
        return carry

    lax.fori_loop(0, NBLK // NBUF, lambda i, c: outer(i * NBUF, c), 0,
                  unroll=False)
    for s in range(NBUF):
        wait_out(s)


@functools.partial(
    pl.kernel,
    out_type=jax.ShapeDtypeStruct((BATCH * D,), jnp.float32),
    mesh=plsc.VectorSubcoreMesh(core_axis_name="c", subcore_axis_name="s"),
    scratch_types=[
        pltpu.VMEM((D,), jnp.int32),
        pltpu.VMEM((BLK,), jnp.float32),
        pltpu.VMEM((BLK,), jnp.float32),
        pltpu.VMEM((BLK,), jnp.float32),
        pltpu.VMEM((BLK,), jnp.float32),
        pltpu.SemaphoreType.DMA,
        pltpu.SemaphoreType.DMA,
        pltpu.SemaphoreType.DMA,
        pltpu.SemaphoreType.DMA,
    ],
    compiler_params=pltpu.CompilerParams(needs_layout_passes=False),
)
def _permute(x_hbm, perm_hbm, out_hbm, perm_v,
             in0, in1, out0, out1, isem0, isem1, osem0, osem1):
    _permute_body(x_hbm, perm_hbm, out_hbm, perm_v,
                  in0, in1, out0, out1, isem0, isem1, osem0, osem1)


def kernel(x, permutation):
    out = _permute(x.reshape(-1), permutation.astype(jnp.int32))
    return out.reshape(BATCH, D)

# --- scband reference (transcript-rebuilt; emitter-appended) ---
"""Pipeline reference for scband-permutation-21294447854292 (READ-ONLY COPY).

The authoritative reference and input builder live on the scoring server;
editing this copy changes nothing except your own understanding.
"""

import jax, jax.numpy as jnp
import numpy as np

LAYER_DIM = 2048
BATCH = 16384


def setup_inputs(seed: int = 0) -> dict:
    key = jax.random.key(seed)
    k1, k2 = jax.random.split(key)
    x = jax.random.normal(k1, (BATCH, LAYER_DIM), dtype=jnp.float32)
    # buffer created in __init__ via torch.randperm(layer_dim)
    permutation = jax.random.permutation(k2, LAYER_DIM)
    return {"x": x, "permutation": permutation}


def reference(x, permutation):
    # forward: x[:, self.permutation]  -> gather along axis 1
    return jnp.take(x, permutation, axis=1)

if __name__ == "__main__":
    import jax
    _d = setup_inputs()
    print(jax.jit(kernel)(*tuple(_d.values())))

</pallas_src>

<mosaic_0001>
#map = affine_map<(d0, d1) -> (0)>
module attributes {stable_mosaic.version = 14 : i64} {
  func.func @_permute(%arg0: i32, %arg1: i32, %arg2: memref<33554432xf32, #tpu.memory_space<hbm>>, %arg3: memref<2048xi32, #tpu.memory_space<hbm>>, %arg4: memref<33554432xf32, #tpu.memory_space<hbm>>, %arg5: memref<2048xi32, #tpu.memory_space<vmem>>, %arg6: memref<16384xf32, #tpu.memory_space<vmem>>, %arg7: memref<16384xf32, #tpu.memory_space<vmem>>, %arg8: memref<16384xf32, #tpu.memory_space<vmem>>, %arg9: memref<16384xf32, #tpu.memory_space<vmem>>, %arg10: memref<!tpu.dma_semaphore, #tpu.memory_space<semaphore_mem>>, %arg11: memref<!tpu.dma_semaphore, #tpu.memory_space<semaphore_mem>>, %arg12: memref<!tpu.dma_semaphore, #tpu.memory_space<semaphore_mem>>, %arg13: memref<!tpu.dma_semaphore, #tpu.memory_space<semaphore_mem>>) attributes {dimension_semantics = [#tpu.dimension_semantics<core_parallel>, #tpu.dimension_semantics<subcore_parallel>], iteration_bounds = array<i64: 2, 16>, scalar_prefetch = 0 : i64, scratch_operands = 9 : i64, tpu.core_type = #tpu.core_type<sc_vector_subcore>, window_params = [{transform_indices = #map}, {transform_indices = #map}, {transform_indices = #map}]} {
    %mul3A = arith.constant 2 : i32
    %mul3A_0 = arith.muli %arg1, %mul3A : i32
    %add3A = arith.addi %mul3A_0, %arg0 : i32
    %mul3A_1 = arith.constant 1048576 : i32
    %mul3A_2 = arith.muli %add3A, %mul3A_1 : i32
    "tpu.region"() ({
      %run_scoped3A = tpu.sem_alloc : memref<!tpu.dma_semaphore, #tpu.memory_space<semaphore_mem>>
      tpu.enqueue_dma source(%arg3 : memref<2048xi32, #tpu.memory_space<hbm>>) target(%arg5 : memref<2048xi32, #tpu.memory_space<vmem>>) target_semaphore(%run_scoped3A : memref<!tpu.dma_semaphore, #tpu.memory_space<semaphore_mem>>)
      tpu.wait_dma2 semaphore(%run_scoped3A : memref<!tpu.dma_semaphore, #tpu.memory_space<semaphore_mem>>) src(%arg3 : memref<2048xi32, #tpu.memory_space<hbm>>) dst(%arg5 : memref<2048xi32, #tpu.memory_space<vmem>>)
      tpu.yield
    }) : () -> ()
    %add3A_3 = arith.constant 0 : i32
    %add3A_4 = arith.addi %mul3A_2, %add3A_3 : i32
    %dma_start3A = tpu.memref_slice %arg2[%add3A_4] : memref<33554432xf32, #tpu.memory_space<hbm>> -> memref<16384xf32, #tpu.memory_space<hbm>>
    %dma_start3A_5 = tpu.memref_slice %arg2[%add3A_4] : memref<33554432xf32, #tpu.memory_space<hbm>> -> memref<16384xf32, #tpu.memory_space<hbm>>
    tpu.enqueue_dma source(%dma_start3A_5 : memref<16384xf32, #tpu.memory_space<hbm>>) target(%arg6 : memref<16384xf32, #tpu.memory_space<vmem>>) target_semaphore(%arg10 : memref<!tpu.dma_semaphore, #tpu.memory_space<semaphore_mem>>)
    %add3A_6 = arith.constant 16384 : i32
    %add3A_7 = arith.addi %mul3A_2, %add3A_6 : i32
    %dma_start3A_8 = tpu.memref_slice %arg2[%add3A_7] : memref<33554432xf32, #tpu.memory_space<hbm>> -> memref<16384xf32, #tpu.memory_space<hbm>>
    %dma_start3A_9 = tpu.memref_slice %arg2[%add3A_7] : memref<33554432xf32, #tpu.memory_space<hbm>> -> memref<16384xf32, #tpu.memory_space<hbm>>
    tpu.enqueue_dma source(%dma_start3A_9 : memref<16384xf32, #tpu.memory_space<hbm>>) target(%arg7 : memref<16384xf32, #tpu.memory_space<vmem>>) target_semaphore(%arg11 : memref<!tpu.dma_semaphore, #tpu.memory_space<semaphore_mem>>)
    %scan3A = arith.constant 0 : i32
    %scan3A_10 = arith.constant 0 : i32
    %scan3A_11 = arith.constant 32 : i32
    %scan3A_12 = arith.addi %scan3A_10, %scan3A_11 : i32
    %scan3A_13 = arith.constant 1 : i32
    scf.for %scan3A_22 = %scan3A_10 to %scan3A_12 step %scan3A_13  : i32 {
      %mul3A_23 = arith.constant 2 : i32
      %mul3A_24 = arith.muli %scan3A_22, %mul3A_23 : i32
      %add3A_25 = arith.constant 0 : i32
      %add3A_26 = arith.addi %mul3A_24, %add3A_25 : i32
      %dma_wait3A_27 = arith.constant 0 : i32
      %dma_wait3A_28 = tpu.memref_slice %arg2[%dma_wait3A_27] : memref<33554432xf32, #tpu.memory_space<hbm>> -> memref<16384xf32, #tpu.memory_space<hbm>>
      %dma_wait3A_29 = arith.constant 0 : i32
      %dma_wait3A_30 = tpu.memref_slice %arg2[%dma_wait3A_29] : memref<33554432xf32, #tpu.memory_space<hbm>> -> memref<16384xf32, #tpu.memory_space<hbm>>
      tpu.wait_dma2 semaphore(%arg10 : memref<!tpu.dma_semaphore, #tpu.memory_space<semaphore_mem>>) src(%dma_wait3A_30 : memref<16384xf32, #tpu.memory_space<hbm>>) dst(%arg6 : memref<16384xf32, #tpu.memory_space<vmem>>)
      %gt3A = arith.constant 0 : i32
      %gt3A_31 = arith.cmpi sgt, %mul3A_24, %gt3A : i32
      %convert_element_type3A = arith.extui %gt3A_31 : i1 to i32
      %cond3A = arith.constant 0 : i32
      %cond3A_32 = arith.cmpi ne, %convert_element_type3A, %cond3A : i32
      scf.if %cond3A_32 {
        %dma_wait3A_75 = arith.constant 0 : i32
        %dma_wait3A_76 = tpu.memref_slice %arg4[%dma_wait3A_75] : memref<33554432xf32, #tpu.memory_space<hbm>> -> memref<16384xf32, #tpu.memory_space<hbm>>
        %dma_wait3A_77 = arith.constant 0 : i32
        %dma_wait3A_78 = tpu.memref_slice %arg4[%dma_wait3A_77] : memref<33554432xf32, #tpu.memory_space<hbm>> -> memref<16384xf32, #tpu.memory_space<hbm>>
        tpu.wait_dma2 semaphore(%arg12 : memref<!tpu.dma_semaphore, #tpu.memory_space<semaphore_mem>>) src(%arg8 : memref<16384xf32, #tpu.memory_space<vmem>>) dst(%dma_wait3A_78 : memref<16384xf32, #tpu.memory_space<hbm>>)
      } else {
      }
      %scan3A_33 = arith.constant 0 : i32
      %scan3A_34 = arith.constant 0 : i32
      %scan3A_35 = arith.constant 128 : i32
      %scan3A_36 = arith.addi %scan3A_34, %scan3A_35 : i32
      %scan3A_37 = arith.constant 2 : i32
      scf.for %scan3A_75 = %scan3A_34 to %scan3A_36 step %scan3A_37  : i32 {
        %mul3A_76 = arith.constant 16 : i32
        %mul3A_77 = arith.muli %scan3A_75, %mul3A_76 : i32
        %get3A = arith.index_cast %mul3A_77 : i32 to index
        %get3A_78 = tpu.vector_load %arg5[%get3A] {strides = array<i32>} : memref<2048xi32, #tpu.memory_space<vmem>>, vector<16xi32>,
        %add3A_79 = arith.constant 0 : i32
        %add3A_80 = vector.broadcast %add3A_79 : i32 to vector<16xi32>
        %add3A_81 = arith.addi %get3A_78, %add3A_80 : vector<16xi32>
        %gather3A = tpu.vector_load_idx %arg6[%add3A_81] : memref<16384xf32, #tpu.memory_space<vmem>>[vector<16xi32>], vector<16xf32>,
        %mul3A_82 = arith.constant 16 : i32
        %mul3A_83 = arith.muli %scan3A_75, %mul3A_82 : i32
        %add3A_84 = arith.constant 0 : i32
        %add3A_85 = arith.addi %mul3A_83, %add3A_84 : i32
        %swap3A = arith.index_cast %add3A_85 : i32 to index
        %swap3A_86 = tpu.vector_load %arg8[%swap3A] {strides = array<i32>} : memref<16384xf32, #tpu.memory_space<vmem>>, vector<16xf32>,
        tpu.vector_store %arg8[%swap3A], %gather3A {strides = array<i32>} : memref<16384xf32, #tpu.memory_space<vmem>>, vector<16xf32>,
        %add3A_87 = arith.constant 2048 : i32
        %add3A_88 = vector.broadcast %add3A_87 : i32 to vector<16xi32>
        %add3A_89 = arith.addi %get3A_78, %add3A_88 : vector<16xi32>
        %gather3A_90 = tpu.vector_load_idx %arg6[%add3A_89] : memref<16384xf32, #tpu.memory_space<vmem>>[vector<16xi32>], vector<16xf32>,
        %mul3A_91 = arith.constant 16 : i32
        %mul3A_92 = arith.muli %scan3A_75, %mul3A_91 : i32
        %add3A_93 = arith.constant 2048 : i32
        %add3A_94 = arith.addi %mul3A_92, %add3A_93 : i32
        %swap3A_95 = arith.index_cast %add3A_94 : i32 to index
        %swap3A_96 = tpu.vector_load %arg8[%swap3A_95] {strides = array<i32>} : memref<16384xf32, #tpu.memory_space<vmem>>, vector<16xf32>,
        tpu.vector_store %arg8[%swap3A_95], %gather3A_90 {strides = array<i32>} : memref<16384xf32, #tpu.memory_space<vmem>>, vector<16xf32>,
        %add3A_97 = arith.constant 4096 : i32
        %add3A_98 = vector.broadcast %add3A_97 : i32 to vector<16xi32>
        %add3A_99 = arith.addi %get3A_78, %add3A_98 : vector<16xi32>
        %gather3A_100 = tpu.vector_load_idx %arg6[%add3A_99] : memref<16384xf32, #tpu.memory_space<vmem>>[vector<16xi32>], vector<16xf32>,
        %mul3A_101 = arith.constant 16 : i32
        %mul3A_102 = arith.muli %scan3A_75, %mul3A_101 : i32
        %add3A_103 = arith.constant 4096 : i32
        %add3A_104 = arith.addi %mul3A_102, %add3A_103 : i32
        %swap3A_105 = arith.index_cast %add3A_104 : i32 to index
        %swap3A_106 = tpu.vector_load %arg8[%swap3A_105] {strides = array<i32>} : memref<16384xf32, #tpu.memory_space<vmem>>, vector<16xf32>,
        tpu.vector_store %arg8[%swap3A_105], %gather3A_100 {strides = array<i32>} : memref<16384xf32, #tpu.memory_space<vmem>>, vector<16xf32>,
        %add3A_107 = arith.constant 6144 : i32
        %add3A_108 = vector.broadcast %add3A_107 : i32 to vector<16xi32>
        %add3A_109 = arith.addi %get3A_78, %add3A_108 : vector<16xi32>
        %gather3A_110 = tpu.vector_load_idx %arg6[%add3A_109] : memref<16384xf32, #tpu.memory_space<vmem>>[vector<16xi32>], vector<16xf32>,
        %mul3A_111 = arith.constant 16 : i32
        %mul3A_112 = arith.muli %scan3A_75, %mul3A_111 : i32
        %add3A_113 = arith.constant 6144 : i32
        %add3A_114 = arith.addi %mul3A_112, %add3A_113 : i32
        %swap3A_115 = arith.index_cast %add3A_114 : i32 to index
        %swap3A_116 = tpu.vector_load %arg8[%swap3A_115] {strides = array<i32>} : memref<16384xf32, #tpu.memory_space<vmem>>, vector<16xf32>,
        tpu.vector_store %arg8[%swap3A_115], %gather3A_110 {strides = array<i32>} : memref<16384xf32, #tpu.memory_space<vmem>>, vector<16xf32>,
        %add3A_117 = arith.constant 8192 : i32
        %add3A_118 = vector.broadcast %add3A_117 : i32 to vector<16xi32>
        %add3A_119 = arith.addi %get3A_78, %add3A_118 : vector<16xi32>
        %gather3A_120 = tpu.vector_load_idx %arg6[%add3A_119] : memref<16384xf32, #tpu.memory_space<vmem>>[vector<16xi32>], vector<16xf32>,
        %mul3A_121 = arith.constant 16 : i32
        %mul3A_122 = arith.muli %scan3A_75, %mul3A_121 : i32
        %add3A_123 = arith.constant 8192 : i32
        %add3A_124 = arith.addi %mul3A_122, %add3A_123 : i32
        %swap3A_125 = arith.index_cast %add3A_124 : i32 to index
        %swap3A_126 = tpu.vector_load %arg8[%swap3A_125] {strides = array<i32>} : memref<16384xf32, #tpu.memory_space<vmem>>, vector<16xf32>,
        tpu.vector_store %arg8[%swap3A_125], %gather3A_120 {strides = array<i32>} : memref<16384xf32, #tpu.memory_space<vmem>>, vector<16xf32>,
        %add3A_127 = arith.constant 10240 : i32
        %add3A_128 = vector.broadcast %add3A_127 : i32 to vector<16xi32>
        %add3A_129 = arith.addi %get3A_78, %add3A_128 : vector<16xi32>
        %gather3A_130 = tpu.vector_load_idx %arg6[%add3A_129] : memref<16384xf32, #tpu.memory_space<vmem>>[vector<16xi32>], vector<16xf32>,
        %mul3A_131 = arith.constant 16 : i32
        %mul3A_132 = arith.muli %scan3A_75, %mul3A_131 : i32
        %add3A_133 = arith.constant 10240 : i32
        %add3A_134 = arith.addi %mul3A_132, %add3A_133 : i32
        %swap3A_135 = arith.index_cast %add3A_134 : i32 to index
        %swap3A_136 = tpu.vector_load %arg8[%swap3A_135] {strides = array<i32>} : memref<16384xf32, #tpu.memory_space<vmem>>, vector<16xf32>,
        tpu.vector_store %arg8[%swap3A_135], %gather3A_130 {strides = array<i32>} : memref<16384xf32, #tpu.memory_space<vmem>>, vector<16xf32>,
        %add3A_137 = arith.constant 12288 : i32
        %add3A_138 = vector.broadcast %add3A_137 : i32 to vector<16xi32>
        %add3A_139 = arith.addi %get3A_78, %add3A_138 : vector<16xi32>
        %gather3A_140 = tpu.vector_load_idx %arg6[%add3A_139] : memref<16384xf32, #tpu.memory_space<vmem>>[vector<16xi32>], vector<16xf32>,
        %mul3A_141 = arith.constant 16 : i32
        %mul3A_142 = arith.muli %scan3A_75, %mul3A_141 : i32
        %add3A_143 = arith.constant 12288 : i32
        %add3A_144 = arith.addi %mul3A_142, %add3A_143 : i32
        %swap3A_145 = arith.index_cast %add3A_144 : i32 to index
        %swap3A_146 = tpu.vector_load %arg8[%swap3A_145] {strides = array<i32>} : memref<16384xf32, #tpu.memory_space<vmem>>, vector<16xf32>,
        tpu.vector_store %arg8[%swap3A_145], %gather3A_140 {strides = array<i32>} : memref<16384xf32, #tpu.memory_space<vmem>>, vector<16xf32>,
        %add3A_147 = arith.constant 14336 : i32
        %add3A_148 = vector.broadcast %add3A_147 : i32 to vector<16xi32>
        %add3A_149 = arith.addi %get3A_78, %add3A_148 : vector<16xi32>
        %gather3A_150 = tpu.vector_load_idx %arg6[%add3A_149] : memref<16384xf32, #tpu.memory_space<vmem>>[vector<16xi32>], vector<16xf32>,
        %mul3A_151 = arith.constant 16 : i32
        %mul3A_152 = arith.muli %scan3A_75, %mul3A_151 : i32
        %add3A_153 = arith.constant 14336 : i32
        %add3A_154 = arith.addi %mul3A_152, %add3A_153 : i32
        %swap3A_155 = arith.index_cast %add3A_154 : i32 to index
        %swap3A_156 = tpu.vector_load %arg8[%swap3A_155] {strides = array<i32>} : memref<16384xf32, #tpu.memory_space<vmem>>, vector<16xf32>,
        tpu.vector_store %arg8[%swap3A_155], %gather3A_150 {strides = array<i32>} : memref<16384xf32, #tpu.memory_space<vmem>>, vector<16xf32>,
        %scan3A_157 = arith.constant 1 : i32
        %scan3A_158 = arith.addi %scan3A_75, %scan3A_157 : i32
        %mul3A_159 = arith.constant 16 : i32
        %mul3A_160 = arith.muli %scan3A_158, %mul3A_159 : i32
        %get3A_161 = arith.index_cast %mul3A_160 : i32 to index
        %get3A_162 = tpu.vector_load %arg5[%get3A_161] {strides = array<i32>} : memref<2048xi32, #tpu.memory_space<vmem>>, vector<16xi32>,
        %add3A_163 = arith.constant 0 : i32
        %add3A_164 = vector.broadcast %add3A_163 : i32 to vector<16xi32>
        %add3A_165 = arith.addi %get3A_162, %add3A_164 : vector<16xi32>
        %gather3A_166 = tpu.vector_load_idx %arg6[%add3A_165] : memref<16384xf32, #tpu.memory_space<vmem>>[vector<16xi32>], vector<16xf32>,
        %mul3A_167 = arith.constant 16 : i32
        %mul3A_168 = arith.muli %scan3A_158, %mul3A_167 : i32
        %add3A_169 = arith.constant 0 : i32
        %add3A_170 = arith.addi %mul3A_168, %add3A_169 : i32
        %swap3A_171 = arith.index_cast %add3A_170 : i32 to index
        %swap3A_172 = tpu.vector_load %arg8[%swap3A_171] {strides = array<i32>} : memref<16384xf32, #tpu.memory_space<vmem>>, vector<16xf32>,
        tpu.vector_store %arg8[%swap3A_171], %gather3A_166 {strides = array<i32>} : memref<16384xf32, #tpu.memory_space<vmem>>, vector<16xf32>,
        %add3A_173 = arith.constant 2048 : i32
        %add3A_174 = vector.broadcast %add3A_173 : i32 to vector<16xi32>
        %add3A_175 = arith.addi %get3A_162, %add3A_174 : vector<16xi32>
        %gather3A_176 = tpu.vector_load_idx %arg6[%add3A_175] : memref<16384xf32, #tpu.memory_space<vmem>>[vector<16xi32>], vector<16xf32>,
        %mul3A_177 = arith.constant 16 : i32
        %mul3A_178 = arith.muli %scan3A_158, %mul3A_177 : i32
        %add3A_179 = arith.constant 2048 : i32
        %add3A_180 = arith.addi %mul3A_178, %add3A_179 : i32
        %swap3A_181 = arith.index_cast %add3A_180 : i32 to index
        %swap3A_182 = tpu.vector_load %arg8[%swap3A_181] {strides = array<i32>} : memref<16384xf32, #tpu.memory_space<vmem>>, vector<16xf32>,
        tpu.vector_store %arg8[%swap3A_181], %gather3A_176 {strides = array<i32>} : memref<16384xf32, #tpu.memory_space<vmem>>, vector<16xf32>,
        %add3A_183 = arith.constant 4096 : i32
        %add3A_184 = vector.broadcast %add3A_183 : i32 to vector<16xi32>
        %add3A_185 = arith.addi %get3A_162, %add3A_184 : vector<16xi32>
        %gather3A_186 = tpu.vector_load_idx %arg6[%add3A_185] : memref<16384xf32, #tpu.memory_space<vmem>>[vector<16xi32>], vector<16xf32>,
        %mul3A_187 = arith.constant 16 : i32
        %mul3A_188 = arith.muli %scan3A_158, %mul3A_187 : i32
        %add3A_189 = arith.constant 4096 : i32
        %add3A_190 = arith.addi %mul3A_188, %add3A_189 : i32
        %swap3A_191 = arith.index_cast %add3A_190 : i32 to index
        %swap3A_192 = tpu.vector_load %arg8[%swap3A_191] {strides = array<i32>} : memref<16384xf32, #tpu.memory_space<vmem>>, vector<16xf32>,
        tpu.vector_store %arg8[%swap3A_191], %gather3A_186 {strides = array<i32>} : memref<16384xf32, #tpu.memory_space<vmem>>, vector<16xf32>,
        %add3A_193 = arith.constant 6144 : i32
        %add3A_194 = vector.broadcast %add3A_193 : i32 to vector<16xi32>
        %add3A_195 = arith.addi %get3A_162, %add3A_194 : vector<16xi32>
        %gather3A_196 = tpu.vector_load_idx %arg6[%add3A_195] : memref<16384xf32, #tpu.memory_space<vmem>>[vector<16xi32>], vector<16xf32>,
        %mul3A_197 = arith.constant 16 : i32
        %mul3A_198 = arith.muli %scan3A_158, %mul3A_197 : i32
        %add3A_199 = arith.constant 6144 : i32
        %add3A_200 = arith.addi %mul3A_198, %add3A_199 : i32
        %swap3A_201 = arith.index_cast %add3A_200 : i32 to index
        %swap3A_202 = tpu.vector_load %arg8[%swap3A_201] {strides = array<i32>} : memref<16384xf32, #tpu.memory_space<vmem>>, vector<16xf32>,
        tpu.vector_store %arg8[%swap3A_201], %gather3A_196 {strides = array<i32>} : memref<16384xf32, #tpu.memory_space<vmem>>, vector<16xf32>,
        %add3A_203 = arith.constant 8192 : i32
        %add3A_204 = vector.broadcast %add3A_203 : i32 to vector<16xi32>
        %add3A_205 = arith.addi %get3A_162, %add3A_204 : vector<16xi32>
        %gather3A_206 = tpu.vector_load_idx %arg6[%add3A_205] : memref<16384xf32, #tpu.memory_space<vmem>>[vector<16xi32>], vector<16xf32>,
        %mul3A_207 = arith.constant 16 : i32
        %mul3A_208 = arith.muli %scan3A_158, %mul3A_207 : i32
        %add3A_209 = arith.constant 8192 : i32
        %add3A_210 = arith.addi %mul3A_208, %add3A_209 : i32
        %swap3A_211 = arith.index_cast %add3A_210 : i32 to index
        %swap3A_212 = tpu.vector_load %arg8[%swap3A_211] {strides = array<i32>} : memref<16384xf32, #tpu.memory_space<vmem>>, vector<16xf32>,
        tpu.vector_store %arg8[%swap3A_211], %gather3A_206 {strides = array<i32>} : memref<16384xf32, #tpu.memory_space<vmem>>, vector<16xf32>,
        %add3A_213 = arith.constant 10240 : i32
        %add3A_214 = vector.broadcast %add3A_213 : i32 to vector<16xi32>
        %add3A_215 = arith.addi %get3A_162, %add3A_214 : vector<16xi32>
        %gather3A_216 = tpu.vector_load_idx %arg6[%add3A_215] : memref<16384xf32, #tpu.memory_space<vmem>>[vector<16xi32>], vector<16xf32>,
        %mul3A_217 = arith.constant 16 : i32
        %mul3A_218 = arith.muli %scan3A_158, %mul3A_217 : i32
        %add3A_219 = arith.constant 10240 : i32
        %add3A_220 = arith.addi %mul3A_218, %add3A_219 : i32
        %swap3A_221 = arith.index_cast %add3A_220 : i32 to index
        %swap3A_222 = tpu.vector_load %arg8[%swap3A_221] {strides = array<i32>} : memref<16384xf32, #tpu.memory_space<vmem>>, vector<16xf32>,
        tpu.vector_store %arg8[%swap3A_221], %gather3A_216 {strides = array<i32>} : memref<16384xf32, #tpu.memory_space<vmem>>, vector<16xf32>,
        %add3A_223 = arith.constant 12288 : i32
        %add3A_224 = vector.broadcast %add3A_223 : i32 to vector<16xi32>
        %add3A_225 = arith.addi %get3A_162, %add3A_224 : vector<16xi32>
        %gather3A_226 = tpu.vector_load_idx %arg6[%add3A_225] : memref<16384xf32, #tpu.memory_space<vmem>>[vector<16xi32>], vector<16xf32>,
        %mul3A_227 = arith.constant 16 : i32
        %mul3A_228 = arith.muli %scan3A_158, %mul3A_227 : i32
        %add3A_229 = arith.constant 12288 : i32
        %add3A_230 = arith.addi %mul3A_228, %add3A_229 : i32
        %swap3A_231 = arith.index_cast %add3A_230 : i32 to index
        %swap3A_232 = tpu.vector_load %arg8[%swap3A_231] {strides = array<i32>} : memref<16384xf32, #tpu.memory_space<vmem>>, vector<16xf32>,
        tpu.vector_store %arg8[%swap3A_231], %gather3A_226 {strides = array<i32>} : memref<16384xf32, #tpu.memory_space<vmem>>, vector<16xf32>,
        %add3A_233 = arith.constant 14336 : i32
        %add3A_234 = vector.broadcast %add3A_233 : i32 to vector<16xi32>
        %add3A_235 = arith.addi %get3A_162, %add3A_234 : vector<16xi32>
        %gather3A_236 = tpu.vector_load_idx %arg6[%add3A_235] : memref<16384xf32, #tpu.memory_space<vmem>>[vector<16xi32>], vector<16xf32>,
        %mul3A_237 = arith.constant 16 : i32
        %mul3A_238 = arith.muli %scan3A_158, %mul3A_237 : i32
        %add3A_239 = arith.constant 14336 : i32
        %add3A_240 = arith.addi %mul3A_238, %add3A_239 : i32
        %swap3A_241 = arith.index_cast %add3A_240 : i32 to index
        %swap3A_242 = tpu.vector_load %arg8[%swap3A_241] {strides = array<i32>} : memref<16384xf32, #tpu.memory_space<vmem>>, vector<16xf32>,
        tpu.vector_store %arg8[%swap3A_241], %gather3A_236 {strides = array<i32>} : memref<16384xf32, #tpu.memory_space<vmem>>, vector<16xf32>,
      }
      %scan3A_38 = arith.constant 128 : i32
      %mul3A_39 = arith.constant 16384 : i32
      %mul3A_40 = arith.muli %add3A_26, %mul3A_39 : i32
      %add3A_41 = arith.addi %mul3A_2, %mul3A_40 : i32
      %dma_start3A_42 = tpu.memref_slice %arg4[%add3A_41] : memref<33554432xf32, #tpu.memory_space<hbm>> -> memref<16384xf32, #tpu.memory_space<hbm>>
      %dma_start3A_43 = tpu.memref_slice %arg4[%add3A_41] : memref<33554432xf32, #tpu.memory_space<hbm>> -> memref<16384xf32, #tpu.memory_space<hbm>>
      tpu.enqueue_dma source(%arg8 : memref<16384xf32, #tpu.memory_space<vmem>>) target(%dma_start3A_43 : memref<16384xf32, #tpu.memory_space<hbm>>) target_semaphore(%arg12 : memref<!tpu.dma_semaphore, #tpu.memory_space<semaphore_mem>>)
      %lt3A = arith.constant 62 : i32
      %lt3A_44 = arith.cmpi slt, %mul3A_24, %lt3A : i32
      %convert_element_type3A_45 = arith.extui %lt3A_44 : i1 to i32
      %cond3A_46 = arith.constant 0 : i32
      %cond3A_47 = arith.cmpi ne, %convert_element_type3A_45, %cond3A_46 : i32
      scf.if %cond3A_47 {
        %add3A_75 = arith.constant 2 : i32
        %add3A_76 = arith.addi %add3A_26, %add3A_75 : i32
        %mul3A_77 = arith.constant 16384 : i32
        %mul3A_78 = arith.muli %add3A_76, %mul3A_77 : i32
        %add3A_79 = arith.addi %mul3A_2, %mul3A_78 : i32
        %dma_start3A_80 = tpu.memref_slice %arg2[%add3A_79] : memref<33554432xf32, #tpu.memory_space<hbm>> -> memref<16384xf32, #tpu.memory_space<hbm>>
        %dma_start3A_81 = tpu.memref_slice %arg2[%add3A_79] : memref<33554432xf32, #tpu.memory_space<hbm>> -> memref<16384xf32, #tpu.memory_space<hbm>>
        tpu.enqueue_dma source(%dma_start3A_81 : memref<16384xf32, #tpu.memory_space<hbm>>) target(%arg6 : memref<16384xf32, #tpu.memory_space<vmem>>) target_semaphore(%arg10 : memref<!tpu.dma_semaphore, #tpu.memory_space<semaphore_mem>>)
      } else {
      }
      %add3A_48 = arith.constant 1 : i32
      %add3A_49 = arith.addi %mul3A_24, %add3A_48 : i32
      %dma_wait3A_50 = arith.constant 0 : i32
      %dma_wait3A_51 = tpu.memref_slice %arg2[%dma_wait3A_50] : memref<33554432xf32, #tpu.memory_space<hbm>> -> memref<16384xf32, #tpu.memory_space<hbm>>
      %dma_wait3A_52 = arith.constant 0 : i32
      %dma_wait3A_53 = tpu.memref_slice %arg2[%dma_wait3A_52] : memref<33554432xf32, #tpu.memory_space<hbm>> -> memref<16384xf32, #tpu.memory_space<hbm>>
      tpu.wait_dma2 semaphore(%arg11 : memref<!tpu.dma_semaphore, #tpu.memory_space<semaphore_mem>>) src(%dma_wait3A_53 : memref<16384xf32, #tpu.memory_space<hbm>>) dst(%arg7 : memref<16384xf32, #tpu.memory_space<vmem>>)
      %gt3A_54 = arith.constant 0 : i32
      %gt3A_55 = arith.cmpi sgt, %mul3A_24, %gt3A_54 : i32
      %convert_element_type3A_56 = arith.extui %gt3A_55 : i1 to i32
      %cond3A_57 = arith.constant 0 : i32
      %cond3A_58 = arith.cmpi ne, %convert_element_type3A_56, %cond3A_57 : i32
      scf.if %cond3A_58 {
        %dma_wait3A_75 = arith.constant 0 : i32
        %dma_wait3A_76 = tpu.memref_slice %arg4[%dma_wait3A_75] : memref<33554432xf32, #tpu.memory_space<hbm>> -> memref<16384xf32, #tpu.memory_space<hbm>>
        %dma_wait3A_77 = arith.constant 0 : i32
        %dma_wait3A_78 = tpu.memref_slice %arg4[%dma_wait3A_77] : memref<33554432xf32, #tpu.memory_space<hbm>> -> memref<16384xf32, #tpu.memory_space<hbm>>
        tpu.wait_dma2 semaphore(%arg13 : memref<!tpu.dma_semaphore, #tpu.memory_space<semaphore_mem>>) src(%arg9 : memref<16384xf32, #tpu.memory_space<vmem>>) dst(%dma_wait3A_78 : memref<16384xf32, #tpu.memory_space<hbm>>)
      } else {
      }
      %scan3A_59 = arith.constant 0 : i32
      %scan3A_60 = arith.constant 0 : i32
      %scan3A_61 = arith.constant 128 : i32
      %scan3A_62 = arith.addi %scan3A_60, %scan3A_61 : i32
      %scan3A_63 = arith.constant 2 : i32
      scf.for %scan3A_75 = %scan3A_60 to %scan3A_62 step %scan3A_63  : i32 {
        %mul3A_76 = arith.constant 16 : i32
        %mul3A_77 = arith.muli %scan3A_75, %mul3A_76 : i32
        %get3A = arith.index_cast %mul3A_77 : i32 to index
        %get3A_78 = tpu.vector_load %arg5[%get3A] {strides = array<i32>} : memref<2048xi32, #tpu.memory_space<vmem>>, vector<16xi32>,
        %add3A_79 = arith.constant 0 : i32
        %add3A_80 = vector.broadcast %add3A_79 : i32 to vector<16xi32>
        %add3A_81 = arith.addi %get3A_78, %add3A_80 : vector<16xi32>
        %gather3A = tpu.vector_load_idx %arg7[%add3A_81] : memref<16384xf32, #tpu.memory_space<vmem>>[vector<16xi32>], vector<16xf32>,
        %mul3A_82 = arith.constant 16 : i32
        %mul3A_83 = arith.muli %scan3A_75, %mul3A_82 : i32
        %add3A_84 = arith.constant 0 : i32
        %add3A_85 = arith.addi %mul3A_83, %add3A_84 : i32
        %swap3A = arith.index_cast %add3A_85 : i32 to index
        %swap3A_86 = tpu.vector_load %arg9[%swap3A] {strides = array<i32>} : memref<16384xf32, #tpu.memory_space<vmem>>, vector<16xf32>,
        tpu.vector_store %arg9[%swap3A], %gather3A {strides = array<i32>} : memref<16384xf32, #tpu.memory_space<vmem>>, vector<16xf32>,
        %add3A_87 = arith.constant 2048 : i32
        %add3A_88 = vector.broadcast %add3A_87 : i32 to vector<16xi32>
        %add3A_89 = arith.addi %get3A_78, %add3A_88 : vector<16xi32>
        %gather3A_90 = tpu.vector_load_idx %arg7[%add3A_89] : memref<16384xf32, #tpu.memory_space<vmem>>[vector<16xi32>], vector<16xf32>,
        %mul3A_91 = arith.constant 16 : i32
        %mul3A_92 = arith.muli %scan3A_75, %mul3A_91 : i32
        %add3A_93 = arith.constant 2048 : i32
        %add3A_94 = arith.addi %mul3A_92, %add3A_93 : i32
        %swap3A_95 = arith.index_cast %add3A_94 : i32 to index
        %swap3A_96 = tpu.vector_load %arg9[%swap3A_95] {strides = array<i32>} : memref<16384xf32, #tpu.memory_space<vmem>>, vector<16xf32>,
        tpu.vector_store %arg9[%swap3A_95], %gather3A_90 {strides = array<i32>} : memref<16384xf32, #tpu.memory_space<vmem>>, vector<16xf32>,
        %add3A_97 = arith.constant 4096 : i32
        %add3A_98 = vector.broadcast %add3A_97 : i32 to vector<16xi32>
        %add3A_99 = arith.addi %get3A_78, %add3A_98 : vector<16xi32>
        %gather3A_100 = tpu.vector_load_idx %arg7[%add3A_99] : memref<16384xf32, #tpu.memory_space<vmem>>[vector<16xi32>], vector<16xf32>,
        %mul3A_101 = arith.constant 16 : i32
        %mul3A_102 = arith.muli %scan3A_75, %mul3A_101 : i32
        %add3A_103 = arith.constant 4096 : i32
        %add3A_104 = arith.addi %mul3A_102, %add3A_103 : i32
        %swap3A_105 = arith.index_cast %add3A_104 : i32 to index
        %swap3A_106 = tpu.vector_load %arg9[%swap3A_105] {strides = array<i32>} : memref<16384xf32, #tpu.memory_space<vmem>>, vector<16xf32>,
        tpu.vector_store %arg9[%swap3A_105], %gather3A_100 {strides = array<i32>} : memref<16384xf32, #tpu.memory_space<vmem>>, vector<16xf32>,
        %add3A_107 = arith.constant 6144 : i32
        %add3A_108 = vector.broadcast %add3A_107 : i32 to vector<16xi32>
        %add3A_109 = arith.addi %get3A_78, %add3A_108 : vector<16xi32>
        %gather3A_110 = tpu.vector_load_idx %arg7[%add3A_109] : memref<16384xf32, #tpu.memory_space<vmem>>[vector<16xi32>], vector<16xf32>,
        %mul3A_111 = arith.constant 16 : i32
        %mul3A_112 = arith.muli %scan3A_75, %mul3A_111 : i32
        %add3A_113 = arith.constant 6144 : i32
        %add3A_114 = arith.addi %mul3A_112, %add3A_113 : i32
        %swap3A_115 = arith.index_cast %add3A_114 : i32 to index
        %swap3A_116 = tpu.vector_load %arg9[%swap3A_115] {strides = array<i32>} : memref<16384xf32, #tpu.memory_space<vmem>>, vector<16xf32>,
        tpu.vector_store %arg9[%swap3A_115], %gather3A_110 {strides = array<i32>} : memref<16384xf32, #tpu.memory_space<vmem>>, vector<16xf32>,
        %add3A_117 = arith.constant 8192 : i32
        %add3A_118 = vector.broadcast %add3A_117 : i32 to vector<16xi32>
        %add3A_119 = arith.addi %get3A_78, %add3A_118 : vector<16xi32>
        %gather3A_120 = tpu.vector_load_idx %arg7[%add3A_119] : memref<16384xf32, #tpu.memory_space<vmem>>[vector<16xi32>], vector<16xf32>,
        %mul3A_121 = arith.constant 16 : i32
        %mul3A_122 = arith.muli %scan3A_75, %mul3A_121 : i32
        %add3A_123 = arith.constant 8192 : i32
        %add3A_124 = arith.addi %mul3A_122, %add3A_123 : i32
        %swap3A_125 = arith.index_cast %add3A_124 : i32 to index
        %swap3A_126 = tpu.vector_load %arg9[%swap3A_125] {strides = array<i32>} : memref<16384xf32, #tpu.memory_space<vmem>>, vector<16xf32>,
        tpu.vector_store %arg9[%swap3A_125], %gather3A_120 {strides = array<i32>} : memref<16384xf32, #tpu.memory_space<vmem>>, vector<16xf32>,
        %add3A_127 = arith.constant 10240 : i32
        %add3A_128 = vector.broadcast %add3A_127 : i32 to vector<16xi32>
        %add3A_129 = arith.addi %get3A_78, %add3A_128 : vector<16xi32>
        %gather3A_130 = tpu.vector_load_idx %arg7[%add3A_129] : memref<16384xf32, #tpu.memory_space<vmem>>[vector<16xi32>], vector<16xf32>,
        %mul3A_131 = arith.constant 16 : i32
        %mul3A_132 = arith.muli %scan3A_75, %mul3A_131 : i32
        %add3A_133 = arith.constant 10240 : i32
        %add3A_134 = arith.addi %mul3A_132, %add3A_133 : i32
        %swap3A_135 = arith.index_cast %add3A_134 : i32 to index
        %swap3A_136 = tpu.vector_load %arg9[%swap3A_135] {strides = array<i32>} : memref<16384xf32, #tpu.memory_space<vmem>>, vector<16xf32>,
        tpu.vector_store %arg9[%swap3A_135], %gather3A_130 {strides = array<i32>} : memref<16384xf32, #tpu.memory_space<vmem>>, vector<16xf32>,
        %add3A_137 = arith.constant 12288 : i32
        %add3A_138 = vector.broadcast %add3A_137 : i32 to vector<16xi32>
        %add3A_139 = arith.addi %get3A_78, %add3A_138 : vector<16xi32>
        %gather3A_140 = tpu.vector_load_idx %arg7[%add3A_139] : memref<16384xf32, #tpu.memory_space<vmem>>[vector<16xi32>], vector<16xf32>,
        %mul3A_141 = arith.constant 16 : i32
        %mul3A_142 = arith.muli %scan3A_75, %mul3A_141 : i32
        %add3A_143 = arith.constant 12288 : i32
        %add3A_144 = arith.addi %mul3A_142, %add3A_143 : i32
        %swap3A_145 = arith.index_cast %add3A_144 : i32 to index
        %swap3A_146 = tpu.vector_load %arg9[%swap3A_145] {strides = array<i32>} : memref<16384xf32, #tpu.memory_space<vmem>>, vector<16xf32>,
        tpu.vector_store %arg9[%swap3A_145], %gather3A_140 {strides = array<i32>} : memref<16384xf32, #tpu.memory_space<vmem>>, vector<16xf32>,
        %add3A_147 = arith.constant 14336 : i32
        %add3A_148 = vector.broadcast %add3A_147 : i32 to vector<16xi32>
        %add3A_149 = arith.addi %get3A_78, %add3A_148 : vector<16xi32>
        %gather3A_150 = tpu.vector_load_idx %arg7[%add3A_149] : memref<16384xf32, #tpu.memory_space<vmem>>[vector<16xi32>], vector<16xf32>,
        %mul3A_151 = arith.constant 16 : i32
        %mul3A_152 = arith.muli %scan3A_75, %mul3A_151 : i32
        %add3A_153 = arith.constant 14336 : i32
        %add3A_154 = arith.addi %mul3A_152, %add3A_153 : i32
        %swap3A_155 = arith.index_cast %add3A_154 : i32 to index
        %swap3A_156 = tpu.vector_load %arg9[%swap3A_155] {strides = array<i32>} : memref<16384xf32, #tpu.memory_space<vmem>>, vector<16xf32>,
        tpu.vector_store %arg9[%swap3A_155], %gather3A_150 {strides = array<i32>} : memref<16384xf32, #tpu.memory_space<vmem>>, vector<16xf32>,
        %scan3A_157 = arith.constant 1 : i32
        %scan3A_158 = arith.addi %scan3A_75, %scan3A_157 : i32
        %mul3A_159 = arith.constant 16 : i32
        %mul3A_160 = arith.muli %scan3A_158, %mul3A_159 : i32
        %get3A_161 = arith.index_cast %mul3A_160 : i32 to index
        %get3A_162 = tpu.vector_load %arg5[%get3A_161] {strides = array<i32>} : memref<2048xi32, #tpu.memory_space<vmem>>, vector<16xi32>,
        %add3A_163 = arith.constant 0 : i32
        %add3A_164 = vector.broadcast %add3A_163 : i32 to vector<16xi32>
        %add3A_165 = arith.addi %get3A_162, %add3A_164 : vector<16xi32>
        %gather3A_166 = tpu.vector_load_idx %arg7[%add3A_165] : memref<16384xf32, #tpu.memory_space<vmem>>[vector<16xi32>], vector<16xf32>,
        %mul3A_167 = arith.constant 16 : i32
        %mul3A_168 = arith.muli %scan3A_158, %mul3A_167 : i32
        %add3A_169 = arith.constant 0 : i32
        %add3A_170 = arith.addi %mul3A_168, %add3A_169 : i32
        %swap3A_171 = arith.index_cast %add3A_170 : i32 to index
        %swap3A_172 = tpu.vector_load %arg9[%swap3A_171] {strides = array<i32>} : memref<16384xf32, #tpu.memory_space<vmem>>, vector<16xf32>,
        tpu.vector_store %arg9[%swap3A_171], %gather3A_166 {strides = array<i32>} : memref<16384xf32, #tpu.memory_space<vmem>>, vector<16xf32>,
        %add3A_173 = arith.constant 2048 : i32
        %add3A_174 = vector.broadcast %add3A_173 : i32 to vector<16xi32>
        %add3A_175 = arith.addi %get3A_162, %add3A_174 : vector<16xi32>
        %gather3A_176 = tpu.vector_load_idx %arg7[%add3A_175] : memref<16384xf32, #tpu.memory_space<vmem>>[vector<16xi32>], vector<16xf32>,
        %mul3A_177 = arith.constant 16 : i32
        %mul3A_178 = arith.muli %scan3A_158, %mul3A_177 : i32
        %add3A_179 = arith.constant 2048 : i32
        %add3A_180 = arith.addi %mul3A_178, %add3A_179 : i32
        %swap3A_181 = arith.index_cast %add3A_180 : i32 to index
        %swap3A_182 = tpu.vector_load %arg9[%swap3A_181] {strides = array<i32>} : memref<16384xf32, #tpu.memory_space<vmem>>, vector<16xf32>,
        tpu.vector_store %arg9[%swap3A_181], %gather3A_176 {strides = array<i32>} : memref<16384xf32, #tpu.memory_space<vmem>>, vector<16xf32>,
        %add3A_183 = arith.constant 4096 : i32
        %add3A_184 = vector.broadcast %add3A_183 : i32 to vector<16xi32>
        %add3A_185 = arith.addi %get3A_162, %add3A_184 : vector<16xi32>
        %gather3A_186 = tpu.vector_load_idx %arg7[%add3A_185] : memref<16384xf32, #tpu.memory_space<vmem>>[vector<16xi32>], vector<16xf32>,
        %mul3A_187 = arith.constant 16 : i32
        %mul3A_188 = arith.muli %scan3A_158, %mul3A_187 : i32
        %add3A_189 = arith.constant 4096 : i32
        %add3A_190 = arith.addi %mul3A_188, %add3A_189 : i32
        %swap3A_191 = arith.index_cast %add3A_190 : i32 to index
        %swap3A_192 = tpu.vector_load %arg9[%swap3A_191] {strides = array<i32>} : memref<16384xf32, #tpu.memory_space<vmem>>, vector<16xf32>,
        tpu.vector_store %arg9[%swap3A_191], %gather3A_186 {strides = array<i32>} : memref<16384xf32, #tpu.memory_space<vmem>>, vector<16xf32>,
        %add3A_193 = arith.constant 6144 : i32
        %add3A_194 = vector.broadcast %add3A_193 : i32 to vector<16xi32>
        %add3A_195 = arith.addi %get3A_162, %add3A_194 : vector<16xi32>
        %gather3A_196 = tpu.vector_load_idx %arg7[%add3A_195] : memref<16384xf32, #tpu.memory_space<vmem>>[vector<16xi32>], vector<16xf32>,
        %mul3A_197 = arith.constant 16 : i32
        %mul3A_198 = arith.muli %scan3A_158, %mul3A_197 : i32
        %add3A_199 = arith.constant 6144 : i32
        %add3A_200 = arith.addi %mul3A_198, %add3A_199 : i32
        %swap3A_201 = arith.index_cast %add3A_200 : i32 to index
        %swap3A_202 = tpu.vector_load %arg9[%swap3A_201] {strides = array<i32>} : memref<16384xf32, #tpu.memory_space<vmem>>, vector<16xf32>,
        tpu.vector_store %arg9[%swap3A_201], %gather3A_196 {strides = array<i32>} : memref<16384xf32, #tpu.memory_space<vmem>>, vector<16xf32>,
        %add3A_203 = arith.constant 8192 : i32
        %add3A_204 = vector.broadcast %add3A_203 : i32 to vector<16xi32>
        %add3A_205 = arith.addi %get3A_162, %add3A_204 : vector<16xi32>
        %gather3A_206 = tpu.vector_load_idx %arg7[%add3A_205] : memref<16384xf32, #tpu.memory_space<vmem>>[vector<16xi32>], vector<16xf32>,
        %mul3A_207 = arith.constant 16 : i32
        %mul3A_208 = arith.muli %scan3A_158, %mul3A_207 : i32
        %add3A_209 = arith.constant 8192 : i32
        %add3A_210 = arith.addi %mul3A_208, %add3A_209 : i32
        %swap3A_211 = arith.index_cast %add3A_210 : i32 to index
        %swap3A_212 = tpu.vector_load %arg9[%swap3A_211] {strides = array<i32>} : memref<16384xf32, #tpu.memory_space<vmem>>, vector<16xf32>,
        tpu.vector_store %arg9[%swap3A_211], %gather3A_206 {strides = array<i32>} : memref<16384xf32, #tpu.memory_space<vmem>>, vector<16xf32>,
        %add3A_213 = arith.constant 10240 : i32
        %add3A_214 = vector.broadcast %add3A_213 : i32 to vector<16xi32>
        %add3A_215 = arith.addi %get3A_162, %add3A_214 : vector<16xi32>
        %gather3A_216 = tpu.vector_load_idx %arg7[%add3A_215] : memref<16384xf32, #tpu.memory_space<vmem>>[vector<16xi32>], vector<16xf32>,
        %mul3A_217 = arith.constant 16 : i32
        %mul3A_218 = arith.muli %scan3A_158, %mul3A_217 : i32
        %add3A_219 = arith.constant 10240 : i32
        %add3A_220 = arith.addi %mul3A_218, %add3A_219 : i32
        %swap3A_221 = arith.index_cast %add3A_220 : i32 to index
        %swap3A_222 = tpu.vector_load %arg9[%swap3A_221] {strides = array<i32>} : memref<16384xf32, #tpu.memory_space<vmem>>, vector<16xf32>,
        tpu.vector_store %arg9[%swap3A_221], %gather3A_216 {strides = array<i32>} : memref<16384xf32, #tpu.memory_space<vmem>>, vector<16xf32>,
        %add3A_223 = arith.constant 12288 : i32
        %add3A_224 = vector.broadcast %add3A_223 : i32 to vector<16xi32>
        %add3A_225 = arith.addi %get3A_162, %add3A_224 : vector<16xi32>
        %gather3A_226 = tpu.vector_load_idx %arg7[%add3A_225] : memref<16384xf32, #tpu.memory_space<vmem>>[vector<16xi32>], vector<16xf32>,
        %mul3A_227 = arith.constant 16 : i32
        %mul3A_228 = arith.muli %scan3A_158, %mul3A_227 : i32
        %add3A_229 = arith.constant 12288 : i32
        %add3A_230 = arith.addi %mul3A_228, %add3A_229 : i32
        %swap3A_231 = arith.index_cast %add3A_230 : i32 to index
        %swap3A_232 = tpu.vector_load %arg9[%swap3A_231] {strides = array<i32>} : memref<16384xf32, #tpu.memory_space<vmem>>, vector<16xf32>,
        tpu.vector_store %arg9[%swap3A_231], %gather3A_226 {strides = array<i32>} : memref<16384xf32, #tpu.memory_space<vmem>>, vector<16xf32>,
        %add3A_233 = arith.constant 14336 : i32
        %add3A_234 = vector.broadcast %add3A_233 : i32 to vector<16xi32>
        %add3A_235 = arith.addi %get3A_162, %add3A_234 : vector<16xi32>
        %gather3A_236 = tpu.vector_load_idx %arg7[%add3A_235] : memref<16384xf32, #tpu.memory_space<vmem>>[vector<16xi32>], vector<16xf32>,
        %mul3A_237 = arith.constant 16 : i32
        %mul3A_238 = arith.muli %scan3A_158, %mul3A_237 : i32
        %add3A_239 = arith.constant 14336 : i32
        %add3A_240 = arith.addi %mul3A_238, %add3A_239 : i32
        %swap3A_241 = arith.index_cast %add3A_240 : i32 to index
        %swap3A_242 = tpu.vector_load %arg9[%swap3A_241] {strides = array<i32>} : memref<16384xf32, #tpu.memory_space<vmem>>, vector<16xf32>,
        tpu.vector_store %arg9[%swap3A_241], %gather3A_236 {strides = array<i32>} : memref<16384xf32, #tpu.memory_space<vmem>>, vector<16xf32>,
      }
      %scan3A_64 = arith.constant 128 : i32
      %mul3A_65 = arith.constant 16384 : i32
      %mul3A_66 = arith.muli %add3A_49, %mul3A_65 : i32
      %add3A_67 = arith.addi %mul3A_2, %mul3A_66 : i32
      %dma_start3A_68 = tpu.memref_slice %arg4[%add3A_67] : memref<33554432xf32, #tpu.memory_space<hbm>> -> memref<16384xf32, #tpu.memory_space<hbm>>
      %dma_start3A_69 = tpu.memref_slice %arg4[%add3A_67] : memref<33554432xf32, #tpu.memory_space<hbm>> -> memref<16384xf32, #tpu.memory_space<hbm>>
      tpu.enqueue_dma source(%arg9 : memref<16384xf32, #tpu.memory_space<vmem>>) target(%dma_start3A_69 : memref<16384xf32, #tpu.memory_space<hbm>>) target_semaphore(%arg13 : memref<!tpu.dma_semaphore, #tpu.memory_space<semaphore_mem>>)
      %lt3A_70 = arith.constant 62 : i32
      %lt3A_71 = arith.cmpi slt, %mul3A_24, %lt3A_70 : i32
      %convert_element_type3A_72 = arith.extui %lt3A_71 : i1 to i32
      %cond3A_73 = arith.constant 0 : i32
      %cond3A_74 = arith.cmpi ne, %convert_element_type3A_72, %cond3A_73 : i32
      scf.if %cond3A_74 {
        %add3A_75 = arith.constant 2 : i32
        %add3A_76 = arith.addi %add3A_49, %add3A_75 : i32
        %mul3A_77 = arith.constant 16384 : i32
        %mul3A_78 = arith.muli %add3A_76, %mul3A_77 : i32
        %add3A_79 = arith.addi %mul3A_2, %mul3A_78 : i32
        %dma_start3A_80 = tpu.memref_slice %arg2[%add3A_79] : memref<33554432xf32, #tpu.memory_space<hbm>> -> memref<16384xf32, #tpu.memory_space<hbm>>
        %dma_start3A_81 = tpu.memref_slice %arg2[%add3A_79] : memref<33554432xf32, #tpu.memory_space<hbm>> -> memref<16384xf32, #tpu.memory_space<hbm>>
        tpu.enqueue_dma source(%dma_start3A_81 : memref<16384xf32, #tpu.memory_space<hbm>>) target(%arg7 : memref<16384xf32, #tpu.memory_space<vmem>>) target_semaphore(%arg11 : memref<!tpu.dma_semaphore, #tpu.memory_space<semaphore_mem>>)
      } else {
      }
    }
    %scan3A_14 = arith.constant 32 : i32
    %dma_wait3A = arith.constant 0 : i32
    %dma_wait3A_15 = tpu.memref_slice %arg4[%dma_wait3A] : memref<33554432xf32, #tpu.memory_space<hbm>> -> memref<16384xf32, #tpu.memory_space<hbm>>
    %dma_wait3A_16 = arith.constant 0 : i32
    %dma_wait3A_17 = tpu.memref_slice %arg4[%dma_wait3A_16] : memref<33554432xf32, #tpu.memory_space<hbm>> -> memref<16384xf32, #tpu.memory_space<hbm>>
    tpu.wait_dma2 semaphore(%arg12 : memref<!tpu.dma_semaphore, #tpu.memory_space<semaphore_mem>>) src(%arg8 : memref<16384xf32, #tpu.memory_space<vmem>>) dst(%dma_wait3A_17 : memref<16384xf32, #tpu.memory_space<hbm>>)
    %dma_wait3A_18 = arith.constant 0 : i32
    %dma_wait3A_19 = tpu.memref_slice %arg4[%dma_wait3A_18] : memref<33554432xf32, #tpu.memory_space<hbm>> -> memref<16384xf32, #tpu.memory_space<hbm>>
    %dma_wait3A_20 = arith.constant 0 : i32
    %dma_wait3A_21 = tpu.memref_slice %arg4[%dma_wait3A_20] : memref<33554432xf32, #tpu.memory_space<hbm>> -> memref<16384xf32, #tpu.memory_space<hbm>>
    tpu.wait_dma2 semaphore(%arg13 : memref<!tpu.dma_semaphore, #tpu.memory_space<semaphore_mem>>) src(%arg9 : memref<16384xf32, #tpu.memory_space<vmem>>) dst(%dma_wait3A_21 : memref<16384xf32, #tpu.memory_space<hbm>>)
    return
  }
}

</mosaic_0001>

<sc_bundles>
// kernel: kernel.3.cloned.1.call-start
scs
__scs_entry_jumppad:
0x0: {  	(pc) =	sbr.rel $0x88, $3  }
0x1: {  	(tag) =	ssettag $0x0;
	lr =	simm.s32 $0x1  }
0x2: {  	[smem:$0x3F9F] =	sst lr;
	_ =	strace $0xD0000000  }
0x3: {  	_ = 	snop  }
0x4: {  	_ = 	snop  }
0x5: {  	_ = 	snop  }
0x6: {  	_ = 	snop  }
0x7: {  	_ = 	snop  }
__scs_overlays_trampoline_lowered:
0x8: {  	[smem:$0x3FAE] =	sst s0  }
0x9: {  	[smem:$0x3FAF] =	sst s1  }
0xa: {  	[smem:$0x3FB0] =	sst s2  }
0xb: {  	[smem:$0x3FB1] =	sst s3  }
0xc: {  	[smem:$0x3FB2] =	sst s4  }
0xd: {  	[smem:$0x3FB3] =	sst s5  }
0xe: {  	[smem:$0x3FB4] =	sst s6  }
0xf: {  	[smem:$0x3FB5] =	sst s7  }
0x10: {  	[smem:$0x3FB6] =	sst s8  }
0x11: {  	[smem:$0x3FB7] =	sst s9;
	s0 =	simm.s32 @!p0 $0x0  }
0x12: {  	s1 =	sld [smem:$0x3F9D];
	s0 =	simm.s32 @p0 $0x1  }
0x13: {  	[smem:$0x3FB8] =	sst s0;
	s0 =	simm.s32 @!p1 $0x0  }
0x14: {  	s2 =	sld [smem:$0x3F9C];
	s0 =	simm.s32 @p1 $0x1  }
0x15: {  	[smem:$0x3FB9] =	sst s0;
	s0 =	simm.s32 @!p2 $0x0  }
0x16: {  	s3 =	sld [smem:$0x3FDB];
	s0 =	simm.s32 @p2 $0x1  }
0x17: {  	s4 =	simm.s32 $0x1BF5;
	[smem:$0x3FBB] =	sst s0  }
0x18: {  	s0 =	sld [smem:$0x3F9E];
	_ =	swait.ge [sflag:s4], $0x0  }
0x19: {  	s7 =	sld [smem:$0x3F9F]  }
0x1a: {  	s8 =	sadd.s32 $0xFFFFE003, lr  }
0x1b: {  	s9 =	sadd.s32 $0xFFFFFEF7, lr;
	s5 =	simm.s32 $0xFFFFFFFF;
	p2 =	slt.u32 s8, $0xFFFFF086  }
0x1c: {  	p1 =	slt.u32 s9, $0xF7A;
	s5 =	simm.s32 @!p2 $0x0  }
0x1d: {  	s5 =	simm.s32 @p1 $0x1;
	p0 =	seq.s32 s7, s2  }
0x1e: {  	s7 =	smul.u32 @!p0 $0xF7A, s2;
	p2 =	seq.s32 @!p0 s5, $0x0  }
0x1f: {  	s9 =	smul.u32 $0xF7A, s1;
	s8 =	simm.s32 @!p0 $0x1BF5;
	p2 =	por !p2, p0  }
0x20: {  	[sflag:s8] =	ssyncset.s32 @!p0 $0xFFFFF086;
	s6 =	sadd.s32 @!p0 s3, s7;
	s7 =	simm.s32 @!p0 $0x108  }
0x21: {  	s3 =	sadd.s32 s3, s9;
	s6 =	sadd.s32 @!p0 $0x88, s6;
	s7 =	simm.s32 @p2 $0x1082  }
0x22: {  	[simem:s7], [sflag:s8] =	dma.local @!p0 [hbm:s6], $0xF7A  }
0x23: {  	s9 =	sor.u32 $0xD0000000, s2;
	s6 =	simm.s32 $0x108;
	_ =	swait.ge @!p0 [sflag:s8], $0x0  }
0x24: {  	s3 =	sadd.s32 $0x88, s3;
	s6 =	simm.s32 @!p1 $0x1082;
	[sflag:s4] =	ssyncset.s32 $0xFFFFF086  }
0x25: {  	[simem:s6], [sflag:s4] =	dma.local [hbm:s3], $0xF7A  }
0x26: {  	[smem:$0x3F9F] =	sst s1;
	(tag) =	ssettag s2;
	_ =	strace s9  }
0x27: {  	s1 =	sld [smem:$0x3FAF]  }
0x28: {  	s2 =	sld [smem:$0x3FB0]  }
0x29: {  	s4 =	sld [smem:$0x3FB2]  }
0x2a: {  	p0 =	seq.s32 s5, $0x0;
	s5 =	sld [smem:$0x3FB3]  }
0x2b: {  	s6 =	sld [smem:$0x3FB4]  }
0x2c: {  	s7 =	sld [smem:$0x3FB5]  }
0x2d: {  	s3 =	simm.s32 $0x108;
	s8 =	sld [smem:$0x3FB6]  }
0x2e: {  	s3 =	simm.s32 @!p0 $0x1082;
	s9 =	sld [smem:$0x3FB7]  }
0x2f: {  	lr =	sadd.s32 s0, s3;
	s0 =	sld [smem:$0x3FAE]  }
0x30: {  	s3 =	sld [smem:$0x3FB1]  }
0x31: {  	[smem:$0x3FBA] =	sst s10  }
0x32: {  	s10 =	sld [smem:$0x3FB8];
	_ =	sdelay $0x3  }
0x33: {  	p0 =	seq.s32 s10, $0x1;
	s10 =	sld [smem:$0x3FBA];
	_ =	sdelay $0x3  }
0x34: {  	[smem:$0x3FBA] =	sst s10  }
0x35: {  	s10 =	sld [smem:$0x3FB9];
	_ =	sdelay $0x3  }
0x36: {  	p1 =	seq.s32 s10, $0x1;
	s10 =	sld [smem:$0x3FBA];
	_ =	sdelay $0x3  }
0x37: {  	[smem:$0x3FBA] =	sst s10  }
0x38: {  	s10 =	sld [smem:$0x3FBB]  }
0x39: {  	_ = 	snop;
	(pc) =	sbr.ind lr, $3  }
0x3a: {  	_ = 	snop  }
0x3b: {  	_ = 	snop  }
0x3c: {  	p2 =	seq.s32 s10, $0x1;
	s10 =	sld [smem:$0x3FBA]  }
0x3d: {  	_ =	shalt  }
0x3e: {  	_ =	shalt  }
0x3f: {  	_ =	shalt  }
0x40: {  	_ =	shalt  }
0x41: {  	_ =	shalt  }
0x42: {  	_ =	shalt  }
0x43: {  	_ =	shalt  }
0x44: {  	_ =	shalt  }
0x45: {  	_ =	shalt  }
0x46: {  	_ =	shalt  }
0x47: {  	_ =	shalt  }
0x48: {  	_ =	shalt  }
0x49: {  	_ =	shalt  }
0x4a: {  	_ =	shalt  }
0x4b: {  	_ =	shalt  }
0x4c: {  	_ =	shalt  }
0x4d: {  	_ =	shalt  }
0x4e: {  	_ =	shalt  }
0x4f: {  	_ =	shalt  }
0x50: {  	_ =	shalt  }
0x51: {  	_ =	shalt  }
0x52: {  	_ =	shalt  }
0x53: {  	_ =	shalt  }
0x54: {  	_ =	shalt  }
0x55: {  	_ =	shalt  }
0x56: {  	_ =	shalt  }
0x57: {  	_ =	shalt  }
0x58: {  	_ =	shalt  }
0x59: {  	_ =	shalt  }
0x5a: {  	_ =	shalt  }
0x5b: {  	_ =	shalt  }
0x5c: {  	_ =	shalt  }
0x5d: {  	_ =	shalt  }
0x5e: {  	_ =	shalt  }
0x5f: {  	_ =	shalt  }
0x60: {  	_ =	shalt  }
0x61: {  	_ =	shalt  }
0x62: {  	_ =	shalt  }
0x63: {  	_ =	shalt  }
0x64: {  	_ =	shalt  }
0x65: {  	_ =	shalt  }
0x66: {  	_ =	shalt  }
0x67: {  	_ =	shalt  }
0x68: {  	_ =	shalt  }
0x69: {  	_ =	shalt  }
0x6a: {  	_ =	shalt  }
0x6b: {  	_ =	shalt  }
0x6c: {  	_ =	shalt  }
0x6d: {  	_ =	shalt  }
0x6e: {  	_ =	shalt  }
0x6f: {  	_ =	shalt  }
0x70: {  	_ =	shalt  }
0x71: {  	_ =	shalt  }
0x72: {  	_ =	shalt  }
0x73: {  	_ =	shalt  }
0x74: {  	_ =	shalt  }
0x75: {  	_ =	shalt  }
0x76: {  	_ =	shalt  }
0x77: {  	_ =	shalt  }
0x78: {  	_ =	shalt  }
0x79: {  	_ =	shalt  }
0x7a: {  	_ =	shalt  }
0x7b: {  	_ =	shalt  }
0x7c: {  	_ =	shalt  }
0x7d: {  	_ =	shalt  }
0x7e: {  	_ =	shalt  }
0x7f: {  	_ =	shalt  }
0x80: {  	_ =	shalt  }
0x81: {  	_ =	shalt  }
0x82: {  	_ =	shalt  }
0x83: {  	_ =	shalt  }
0x84: {  	_ =	shalt  }
0x85: {  	_ =	shalt  }
0x86: {  	_ =	shalt  }
0x87: {  	_ =	shalt  }
.Lfunc_end0:
.L_simem_size_0:
called_computation.1_lowered:
.L_overlay_start_0:
0x88: {  	s2 =	sld [smem:$0x3FD9]  }
0x89: {  	s3 =	sld [smem:$0x3FFE];
	_ =	sdelay $0x1  }
0x8a: {  	s1 =	srdreg.scid  }
0x8b: {  	s0 =	sand.u32 $0x1, s1  }
0x8c: {  	s17 =	sshll.u32 s0, $0xA;
	s2 =	sadd.s32 s3, s2  }
0x8d: {  	s2 =	sadd.s32 s2, s17  }
0x8e: {  	[smem:$0x3FC6] =	sst s2  }
0x8f: {  	_ = 	snop  }
0x90: {  	s2 =	sld [smem:$0x3FC8]  }
0x91: {  	s18 =	sld [smem:$0x3FD0];
	(tm) =	ssettm $0x1  }
0x92: {  	s4 =	sld [smem:$0x3FFB];
	_ =	sdelay $0x3  }
0x93: {  	_ =	strace s4  }
0x94: {  	s4 =	sld [smem:$0x3FFC];
	_ =	sdelay $0x3  }
0x95: {  	_ =	strace s4  }
0x96: {  	s4 =	sld [smem:$0x3FFD];
	_ =	sdelay $0x3  }
0x97: {  	_ =	strace s4  }
0x98: {  	_ =	strace $0x8FFFFFFF  }
0x99: {  	s19 =	sld [smem:$0x3FDB];
	_ =	sdelay $0x1  }
0x9a: {  	s5 =	simm.s32 $_scs_section_size  }
0x9b: {  	s6 =	simm.s32 $_size__tile_overlayer_lowered;
	s7 =	simm.s32 $_tile_overlayer_lowered  }
0x9c: {  	s22 =	simm.s32 $0x1BFF;
	s21 =	sshll.u32 s7, $0x1;
	s4 =	sadd.s32 s5, s19  }
0x9d: {  	s8 =	simm.s32 $0x0;
	s20 =	sshll.u32 s6, $0x1;
	s6 =	sadd.s32 s21, s4  }
0x9e: {  	[timem:s8], [sflag:s22] =	dma.local [hbm:s6], s20  }
0x9f: {  	_ =	swait.ge [sflag:s22], s20  }
0xa0: {  	s5 =	ssub.s32 $0x0, s20;
	[sflag:s22] =	ssyncset.done $0x0  }
0xa1: {  	[sflag:s22] =	ssyncadd.s32 s5;
	_ =	sdelay $0x1  }
0xa2: {  	s23 =	simm.s32 $0x1B8B  }
0xa3: {  	_ =	swait.ge [sflag:s23], $0x1  }
0xa4: {  	[sflag:s23] =	ssyncset.done $0x0  }
0xa5: {  	s25 =	simm.s32 $0x1B8E;
	s24 =	sld [smem:$0x3FFE];
	[sflag:s23] =	ssyncadd.s32 $0xFFFFFFFF  }
0xa6: {  	s26 =	simm.s32 $execute0_lowered;
	[smem:$0x3FD2] =	sst s25  }
0xa7: {  	s6 =	sshll.u32 s26, $0x1;
	_ =	strace $0x80000049;
	[dreg:$0x1] =	wrdreg $0xFFFFFFFF  }
0xa8: {  	s28 =	simm.s32 $_size_execute0_lowered;
	s4 =	sadd.s32 s4, s6;
	[dreg:$0x0] =	wrdreg $0x0  }
0xa9: {  	s6 =	sshll.u32 s28, $0x1;
	[dreg:$0x2] =	wrdreg s4  }
0xaa: {  	[dreg:$0x3] =	wrdreg s6  }
0xab: {  	[dreg:$0x4] =	wrdreg $0xC0  }
0xac: {  	_ =	task [dreg:s8], $0x5FFFF  }
0xad: {  	[dreg:$0x1] =	wrdreg $0xFFFFFFFF  }
0xae: {  	[dreg:$0x0] =	wrdreg $0x60  }
0xaf: {  	[dreg:$0x2] =	wrdreg s18  }
0xb0: {  	[dreg:$0x3] =	wrdreg s2  }
0xb1: {  	[dreg:$0x4] =	wrdreg s24  }
0xb2: {  	[dreg:$0x5] =	wrdreg $0x9  }
0xb3: {  	_ =	task.clear_ibuf [dreg:s8], $0x6FFFF;
	_ =	strace $0x90000049  }
0xb4: {  	s29 =	simm.s32 $0x9;
	_ =	strace $0x8000004B  }
0xb5: {  	_ =	swait.ge [sflag:s29], $0x1  }
0xb6: {  	[sflag:s29] =	ssyncadd.s32 $0xFFFFFFFF  }
0xb7: {  	_ =	strace $0x9000004B  }
0xb8: {  	_ =	sfence  }
0xb9: {  	s30 =	sld [smem:$0x0];
	_ =	sdelay $0x2  }
0xba: {  	s31 =	sshll.u32 s1, $0xD;
	s1 =	sshrl.u32 s1, $0x2  }
0xbb: {  	s3 =	sand.u32 $0x4000, s31;
	s1 =	sadd.s32 s1, s30  }
0xbc: {  	s0 =	sor.u32 s3, s0;
	s1 =	sshll.u32 s1, $0x11  }
0xbd: {  	s0 =	sor.u32 s1, s0  }
0xbe: {  	s0 =	sadd.s32 $0x8F2B, s0  }
0xbf: {  	[sflag:s0] =	ssyncadd.remote.s32 $0x1  }
0xc0: {  	_ =	sfence.sel $0xFFFF  }
0xc1: {  	[dreg:$0x0] =	wrdreg $0xFFFFFFFF;
	(pc) =	sbr.abs _section_cstart, $3  }
0xc2: {  	[dreg:$0x1] =	wrdreg $0xFFFFFFFF  }
0xc3: {  	_ =	task.clear_ibuf [dreg:s8], $0x2FFFF;
	_ =	strace $0x9FFFFFFF  }
0xc4: {  	(tm) =	ssettm $0x7FFFFFFF  }
0xc5: {  	_ =	shalt  }
tec
execute0_lowered:
.L_overlay_start_1:
0x0: {  	(tag) =	ssettag $0x1  }
0x1: {  	s1 =	rddreg [dreg:$0x0]  }
0x2: {  	s3 =	rddreg [dreg:$0x1]  }
0x3: {  	s6 =	rddreg [dreg:$0x2];
	s4 =	srdreg.scid  }
0x4: {  	s0 =	rddreg [dreg:$0x3];
	s2 =	stileid.u32;
	s12 =	simm.s32 $0x5  }
0x5: {  	s13 =	simm.s32 $0x800;
	s14 =	simm.s32 $0x4800;
	s15 =	simm.s32 $0x1  }
0x6: {  	s16 =	simm.s32 $0x8800;
	s17 =	simm.s32 $0x2;
	s18 =	simm.s32 $0x4  }
0x7: {  	s19 =	simm.s32 $0xC800;
	s20 =	simm.s32 $0x3;
	s21 =	simm.s32 $0x0  }
0x8: {  	s7 =	sand.u32 $0x1, s4;
	s4 =	simm.s32 $0x0;
	s5 =	sshll.u32 s2, $0x15  }
.Ltmp0:
0x9: {  	s6 =	sadd.s32 $0x800, s6;
	s8 =	sshll.u32 s7, $0x14;
	(pc) =	sbr.rel .LBB2_1-.Ltmp0, $4  }
0xa: {  	[smem:$0x7FF] =	sst s4;
	s30 =	ssub.s32 $0x2, s7;
	s5 =	sor.u32 s8, s5  }
0xb: {  	_ =	strace $0x8000004A;
	s9 =	sshrl.u32 s30, $0x1;
	s31 =	sshrl.u32 s5, $0x3  }
0xc: {  	s11 =	ssub.s32 s30, s9;
	s9 =	sor.u32 $0x8000, s5;
	s7 =	sadd.s32 s1, s31  }
0xd: {  	s10 =	sor.u32 $0xC000, s5;
	s11 =	smax.u32 s11, $0x1;
	s8 =	sadd.s32 $0x800, s7  }
.LBB2_12:
0xe: {  	s21 =	sadd.s32 $0x1, s21  }
0xf: {  	_ =	swait.ge [sflag:s20], $0x4000;
	p0 =	sne.s32 s21, s11  }
.Ltmp1:
0x10: {  	[sflag:s20] =	ssyncset.done $0x0;
	(pc) =	sbr.rel @!p0 .LBB2_13-.Ltmp1, $4  }
0x11: {  	[sflag:s20] =	ssyncadd.s32 $0xFFFFC000  }
0x12: {  	_ =	swait.ge [sflag:s18], $0x4000  }
0x13: {  	[sflag:s18] =	ssyncset.done $0x0  }
0x14: {  	[sflag:s18] =	ssyncadd.s32 $0xFFFFC000  }
.LBB2_1:
0x15: {  	[tilespmem:s4], [sflag:$0x5] =	stream.linear.gather [hbm4b:s3+s4], $0x800, $0x38;
	[tilespmem:$0x10800] =	vst v63  }
0x16: {  	_ =	swait.ge [sflag:s12], $0x800  }
0x17: {  	[sflag:s12] =	ssyncset.done $0x0  }
0x18: {  	[sflag:s12] =	ssyncadd.s32 $0xFFFFF800  }
0x19: {  	[tilespmem:s13], [sflag:$0x1] =	stream.linear.gather [hbm4b:s7+s4], $0x4000, $0x38;
	[tilespmem:$0x10800] =	vst v63  }
0x1a: {  	s22 =	simm.s32 $0x0  }
0x1b: {  	[tilespmem:s14], [sflag:$0x2] =	stream.linear.gather [hbm4b:s8+s4], $0x4000, $0x38;
	[tilespmem:$0x10800] =	vst v63  }
.LBB2_2:
0x1c: {  	_ =	swait.ge [sflag:s15], $0x4000  }
0x1d: {  	p0 =	seq.s32 s22, $0x0;
	[sflag:s15] =	ssyncset.done $0x0  }
0x1e: {  	s23 =	simm.s32 @!p0 $0x3;
	[sflag:s15] =	ssyncadd.s32 $0xFFFFC000  }
0x1f: {  	_ =	swait.ge @!p0 [sflag:s23], $0x4000  }
0x20: {  	s24 =	simm.s32 $0x8800;
	s25 =	simm.s32 $0x10;
	[sflag:s23] =	ssyncset.done @!p0 $0x0  }
0x21: {  	s26 =	simm.s32 $0x0;
	[sflag:s23] =	ssyncadd.s32 @!p0 $0xFFFFC000;
	s23 =	simm.s32 $0xFFFFFFFE  }
.LBB2_3:
0x22: {  	v0 =	vld [tilespmem:s25+$0xFFFFFFF0];
	_ =	sdelay $0x7  }
0x23: {  	v1 =	vld.idx.msk [tilespmem:v0+s13+$0x0], $0xffff  }
0x24: {  	v2 =	vadd.s32 $0x800, v0;
	_ =	sdelay $0x3  }
0x25: {  	[tilespmem:s24+$0x0] =	vst v1  }
0x26: {  	v1 =	vld.idx.msk [tilespmem:v2+s13+$0x0], $0xffff  }
0x27: {  	v53 =	vadd.s32 $0x1000, v0;
	_ =	sdelay $0x2  }
0x28: {  	s28 =	sand.u32 $0x7E0, s26  }
0x29: {  	[tilespmem:s28+$0x9000] =	vst v1  }
0x2a: {  	v1 =	vld.idx.msk [tilespmem:v53+s13+$0x0], $0xffff  }
0x2b: {  	v54 =	vadd.s32 $0x1800, v0;
	_ =	sdelay $0x3  }
0x2c: {  	[tilespmem:s28+$0x9800] =	vst v1  }
0x2d: {  	v1 =	vld.idx.msk [tilespmem:v54+s13+$0x0], $0xffff  }
0x2e: {  	v55 =	vadd.s32 $0x2000, v0;
	_ =	sdelay $0x3  }
0x2f: {  	[tilespmem:s28+$0xA000] =	vst v1  }
0x30: {  	v1 =	vld.idx.msk [tilespmem:v55+s13+$0x0], $0xffff  }
0x31: {  	v56 =	vadd.s32 $0x2800, v0;
	_ =	sdelay $0x3  }
0x32: {  	[tilespmem:s28+$0xA800] =	vst v1  }
0x33: {  	v1 =	vld.idx.msk [tilespmem:v56+s13+$0x0], $0xffff  }
0x34: {  	v57 =	vadd.s32 $0x3000, v0;
	_ =	sdelay $0x3  }
0x35: {  	[tilespmem:s28+$0xB000] =	vst v1  }
0x36: {  	v1 =	vld.idx.msk [tilespmem:v57+s13+$0x0], $0xffff  }
0x37: {  	v0 =	vadd.s32 $0x3800, v0;
	_ =	sdelay $0x3  }
0x38: {  	[tilespmem:s28+$0xB800] =	vst v1  }
0x39: {  	v0 =	vld.idx.msk [tilespmem:v0+s13+$0x0], $0xffff;
	_ =	sdelay $0x4  }
0x3a: {  	[tilespmem:s28+$0xC000] =	vst v0  }
0x3b: {  	v0 =	vld [tilespmem:s25+$0x0];
	_ =	sdelay $0x7  }
0x3c: {  	v1 =	vld.idx.msk [tilespmem:v0+s13+$0x0], $0xffff  }
0x3d: {  	v58 =	vadd.s32 $0x800, v0;
	_ =	sdelay $0x3  }
0x3e: {  	[tilespmem:s24+$0x10] =	vst v1  }
0x3f: {  	v1 =	vld.idx.msk [tilespmem:v58+s13+$0x0], $0xffff  }
0x40: {  	v59 =	vadd.s32 $0x1000, v0;
	_ =	sdelay $0x3  }
0x41: {  	[tilespmem:s24+$0x810] =	vst v1  }
0x42: {  	v1 =	vld.idx.msk [tilespmem:v59+s13+$0x0], $0xffff  }
0x43: {  	v60 =	vadd.s32 $0x1800, v0;
	_ =	sdelay $0x3  }
0x44: {  	[tilespmem:s24+$0x1010] =	vst v1  }
0x45: {  	v1 =	vld.idx.msk [tilespmem:v60+s13+$0x0], $0xffff  }
0x46: {  	v61 =	vadd.s32 $0x2000, v0;
	_ =	sdelay $0x3  }
0x47: {  	[tilespmem:s24+$0x1810] =	vst v1  }
0x48: {  	v1 =	vld.idx.msk [tilespmem:v61+s13+$0x0], $0xffff  }
0x49: {  	v62 =	vadd.s32 $0x2800, v0;
	_ =	sdelay $0x3  }
0x4a: {  	[tilespmem:s24+$0x2010] =	vst v1  }
0x4b: {  	v1 =	vld.idx.msk [tilespmem:v62+s13+$0x0], $0xffff  }
0x4c: {  	v63 =	vadd.s32 $0x3000, v0;
	_ =	sdelay $0x3  }
0x4d: {  	[tilespmem:s24+$0x2810] =	vst v1  }
0x4e: {  	v1 =	vld.idx.msk [tilespmem:v63+s13+$0x0], $0xffff  }
0x4f: {  	v0 =	vadd.s32 $0x3800, v0;
	_ =	sdelay $0x3  }
0x50: {  	s23 =	sadd.s32 $0x2, s23;
	[tilespmem:s24+$0x3010] =	vst v1  }
0x51: {  	p1 =	slt.u32 s23, $0x7E;
	v0 =	vld.idx.msk [tilespmem:v0+s13+$0x0], $0xffff  }
.Ltmp2:
0x52: {  	_ = 	snop;
	(pc) =	sbr.rel @p1 .LBB2_3-.Ltmp2, $2  }
0x53: {  	_ =	sdelay $0x2  }
0x54: {  	s26 =	sadd.s32 $0x20, s26;
	s25 =	sadd.s32 $0x20, s25;
	[tilespmem:s24+$0x3810] =	vst v0;
	s24 =	sadd.s32 $0x20, s24  }
0x55: {  	p1 =	sne.s32 s22, $0x1F  }
.Ltmp3:
0x56: {  	s23 =	sshll.u32 s22, $0xF;
	(pc) =	sbr.rel @p1 .LBB2_6-.Ltmp3, $4  }
0x57: {  	s24 =	sor.u32 s5, s23  }
0x58: {  	s24 =	sshrl.u32 s24, $0x3  }
0x59: {  	s25 =	sadd.s32 s6, s24  }
0x5a: {  	[hbm4b:s25+s4] =	stream.linear.scatter [tilespmem:s16], [sflag:$0x3], $0x4000, $0x38;
	[tilespmem:$0x10800] =	vst v63  }
.Ltmp4:
0x5b: {  	(pc) =	sbr.rel .LBB2_7-.Ltmp4, $4  }
0x5c: {  	_ = 	snop  }
0x5d: {  	_ =	swait.ge [sflag:s17], $0x4000  }
0x5e: {  	[sflag:s17] =	ssyncset.done $0x0  }
0x5f: {  	[sflag:s17] =	ssyncadd.s32 $0xFFFFC000  }
.LBB2_6:
0x60: {  	s25 =	sadd.s32 s23, s9  }
0x61: {  	s25 =	sshrl.u32 s25, $0x3  }
.Ltmp5:
0x62: {  	s25 =	sadd.s32 s1, s25;
	(pc) =	sbr.rel @p0 .LBB2_8-.Ltmp5, $4  }
0x63: {  	[tilespmem:s13], [sflag:$0x1] =	stream.linear.gather [hbm4b:s25+s4], $0x4000, $0x38;
	[tilespmem:$0x10800] =	vst v63  }
0x64: {  	_ =	swait.ge [sflag:s17], $0x4000  }
0x65: {  	[sflag:s17] =	ssyncset.done $0x0  }
0x66: {  	[sflag:s17] =	ssyncadd.s32 $0xFFFFC000  }
.LBB2_7:
0x67: {  	_ =	swait.ge [sflag:s18], $0x4000  }
0x68: {  	[sflag:s18] =	ssyncset.done $0x0  }
0x69: {  	[sflag:s18] =	ssyncadd.s32 $0xFFFFC000  }
.LBB2_8:
0x6a: {  	s25 =	simm.s32 $0xFFFFFFFE  }
0x6b: {  	s26 =	simm.s32 $0xC800;
	s28 =	simm.s32 $0x10;
	s29 =	simm.s32 $0x0  }
.LBB2_9:
0x6c: {  	v0 =	vld [tilespmem:s28+$0xFFFFFFF0];
	_ =	sdelay $0x7  }
0x6d: {  	v1 =	vld.idx.msk [tilespmem:v0+s14+$0x0], $0xffff  }
0x6e: {  	v2 =	vadd.s32 $0x800, v0;
	_ =	sdelay $0x3  }
0x6f: {  	[tilespmem:s26+$0x0] =	vst v1  }
0x70: {  	v1 =	vld.idx.msk [tilespmem:v2+s14+$0x0], $0xffff  }
0x71: {  	v53 =	vadd.s32 $0x1000, v0;
	_ =	sdelay $0x2  }
0x72: {  	s30 =	sand.u32 $0x7E0, s29  }
0x73: {  	[tilespmem:s30+$0xD000] =	vst v1  }
0x74: {  	v1 =	vld.idx.msk [tilespmem:v53+s14+$0x0], $0xffff  }
0x75: {  	v54 =	vadd.s32 $0x1800, v0;
	_ =	sdelay $0x3  }
0x76: {  	[tilespmem:s30+$0xD800] =	vst v1  }
0x77: {  	v1 =	vld.idx.msk [tilespmem:v54+s14+$0x0], $0xffff  }
0x78: {  	v55 =	vadd.s32 $0x2000, v0;
	_ =	sdelay $0x3  }
0x79: {  	[tilespmem:s30+$0xE000] =	vst v1  }
0x7a: {  	v1 =	vld.idx.msk [tilespmem:v55+s14+$0x0], $0xffff  }
0x7b: {  	v56 =	vadd.s32 $0x2800, v0;
	_ =	sdelay $0x3  }
0x7c: {  	[tilespmem:s30+$0xE800] =	vst v1  }
0x7d: {  	v1 =	vld.idx.msk [tilespmem:v56+s14+$0x0], $0xffff  }
0x7e: {  	v57 =	vadd.s32 $0x3000, v0;
	_ =	sdelay $0x3  }
0x7f: {  	[tilespmem:s30+$0xF000] =	vst v1  }
0x80: {  	v1 =	vld.idx.msk [tilespmem:v57+s14+$0x0], $0xffff  }
0x81: {  	v0 =	vadd.s32 $0x3800, v0;
	_ =	sdelay $0x3  }
0x82: {  	[tilespmem:s30+$0xF800] =	vst v1  }
0x83: {  	v0 =	vld.idx.msk [tilespmem:v0+s14+$0x0], $0xffff;
	_ =	sdelay $0x4  }
0x84: {  	[tilespmem:s30+$0x10000] =	vst v0  }
0x85: {  	v0 =	vld [tilespmem:s28+$0x0];
	_ =	sdelay $0x7  }
0x86: {  	v1 =	vld.idx.msk [tilespmem:v0+s14+$0x0], $0xffff  }
0x87: {  	v58 =	vadd.s32 $0x800, v0;
	_ =	sdelay $0x3  }
0x88: {  	[tilespmem:s26+$0x10] =	vst v1  }
0x89: {  	v1 =	vld.idx.msk [tilespmem:v58+s14+$0x0], $0xffff  }
0x8a: {  	v59 =	vadd.s32 $0x1000, v0;
	_ =	sdelay $0x3  }
0x8b: {  	[tilespmem:s26+$0x810] =	vst v1  }
0x8c: {  	v1 =	vld.idx.msk [tilespmem:v59+s14+$0x0], $0xffff  }
0x8d: {  	v60 =	vadd.s32 $0x1800, v0;
	_ =	sdelay $0x3  }
0x8e: {  	[tilespmem:s26+$0x1010] =	vst v1  }
0x8f: {  	v1 =	vld.idx.msk [tilespmem:v60+s14+$0x0], $0xffff  }
0x90: {  	v61 =	vadd.s32 $0x2000, v0;
	_ =	sdelay $0x3  }
0x91: {  	[tilespmem:s26+$0x1810] =	vst v1  }
0x92: {  	v1 =	vld.idx.msk [tilespmem:v61+s14+$0x0], $0xffff  }
0x93: {  	v62 =	vadd.s32 $0x2800, v0;
	_ =	sdelay $0x3  }
0x94: {  	[tilespmem:s26+$0x2010] =	vst v1  }
0x95: {  	v1 =	vld.idx.msk [tilespmem:v62+s14+$0x0], $0xffff  }
0x96: {  	v63 =	vadd.s32 $0x3000, v0;
	_ =	sdelay $0x3  }
0x97: {  	[tilespmem:s26+$0x2810] =	vst v1  }
0x98: {  	v1 =	vld.idx.msk [tilespmem:v63+s14+$0x0], $0xffff  }
0x99: {  	v0 =	vadd.s32 $0x3800, v0;
	_ =	sdelay $0x3  }
0x9a: {  	s25 =	sadd.s32 $0x2, s25;
	[tilespmem:s26+$0x3010] =	vst v1  }
0x9b: {  	p0 =	slt.u32 s25, $0x7E;
	v0 =	vld.idx.msk [tilespmem:v0+s14+$0x0], $0xffff  }
.Ltmp6:
0x9c: {  	_ = 	snop;
	(pc) =	sbr.rel @p0 .LBB2_9-.Ltmp6, $2  }
0x9d: {  	_ =	sdelay $0x2  }
0x9e: {  	s29 =	sadd.s32 $0x20, s29;
	s28 =	sadd.s32 $0x20, s28;
	[tilespmem:s26+$0x3810] =	vst v0;
	s26 =	sadd.s32 $0x20, s26  }
0x9f: {  	p0 =	seq.s32 s22, $0x1F  }
.Ltmp7:
0xa0: {  	_ = 	snop;
	(pc) =	sbr.rel @p0 .LBB2_12-.Ltmp7, $4  }
0xa1: {  	_ = 	snop  }
0xa2: {  	s24 =	sadd.s32 s24, s6  }
0xa3: {  	s24 =	sadd.s32 $0x800, s24  }
0xa4: {  	[hbm4b:s24+s4] =	stream.linear.scatter [tilespmem:s19], [sflag:$0x4], $0x4000, $0x38;
	[tilespmem:$0x10800] =	vst v63  }
.Ltmp8:
0xa5: {  	(pc) =	sbr.rel .LBB2_2-.Ltmp8, $4  }
0xa6: {  	s23 =	sadd.s32 s23, s10  }
0xa7: {  	s23 =	sshrl.u32 s23, $0x3  }
0xa8: {  	s22 =	sadd.s32 $0x1, s22;
	s23 =	sadd.s32 s1, s23  }
0xa9: {  	[tilespmem:s14], [sflag:$0x2] =	stream.linear.gather [hbm4b:s23+s4], $0x4000, $0x38;
	[tilespmem:$0x10800] =	vst v63  }
.LBB2_13:
0xaa: {  	_ =	sfence.sel $0x180000  }
0xab: {  	[bflag:$0x0] =	sbarrier.arrive $0xFFFF  }
0xac: {  	p0 =	sne.s32 s2, $0x0;
	_ =	strace $0x9000004A  }
0xad: {  	s0 =	sadd.s32 @!p0 $0x100000, s0;
	[bflag:$0x2] =	sbarrier.arrive $0xFFFF  }
0xae: {  	[sflag:s0] =	ssyncadd.tile.s32 @!p0 $0x1;
	_ =	shalt  }
.Lfunc_end2:
_tile_overlayer_lowered:
.L_overlay_start_2:
0xaf: {  	(tag) =	ssettag $0x2  }
0xb0: {  	s0 =	rddreg [dreg:$0x0];
	s2 =	stileid.u32  }
0xb1: {  	s1 =	rddreg [dreg:$0x1];
	p0 =	sne.s32 s2, $0x0  }
0xb2: {  	s3 =	rddreg [dreg:$0x2];
	[bflag:$0x3] =	sbarrier.arrive $0xFFFF;
	s2 =	simm.s32 @!p0 $0x1C05  }
0xb3: {  	[timem:s3], [sflag:s2] =	dma.local @!p0 [hbm:s0], s1  }
0xb4: {  	s0 =	simm.s32 @!p0 $0x5  }
0xb5: {  	_ =	swait.ge @!p0 [sflag:s0], s1  }
0xb6: {  	s1 =	ssub.s32 @!p0 $0x0, s1;
	[sflag:s0] =	ssyncset.done @!p0 $0x0  }
0xb7: {  	[sflag:s0] =	ssyncadd.s32 @!p0 s1  }
0xb8: {  	[bflag:$0x3] =	sbarrier.arrive $0xFFFF  }
0xb9: {  	_ =	shalt  }

// kernel: sparse-core-data-format-call.cloned.1.call-start
scs
called_computation_lowered:
.L_overlay_start_0:
0x0: {  	s2 =	sld [smem:$0x3FD9]  }
0x1: {  	s3 =	sld [smem:$0x3FFE];
	_ =	sdelay $0x1  }
0x2: {  	s1 =	srdreg.scid  }
0x3: {  	s0 =	sand.u32 $0x1, s1  }
0x4: {  	s19 =	sshll.u32 s0, $0xA;
	s2 =	sadd.s32 s3, s2  }
0x5: {  	s2 =	sadd.s32 s2, s19  }
0x6: {  	[smem:$0x3FC6] =	sst s2  }
0x7: {  	_ = 	snop  }
0x8: {  	s2 =	sld [smem:$0x3FC9]  }
0x9: {  	s20 =	sld [smem:$0x3FD0];
	(tm) =	ssettm $0x1  }
0xa: {  	s4 =	sld [smem:$0x3FFB];
	_ =	sdelay $0x3  }
0xb: {  	_ =	strace s4  }
0xc: {  	s4 =	sld [smem:$0x3FFC];
	_ =	sdelay $0x3  }
0xd: {  	_ =	strace s4  }
0xe: {  	s4 =	sld [smem:$0x3FFD];
	_ =	sdelay $0x3  }
0xf: {  	_ =	strace s4  }
0x10: {  	_ =	strace $0x8FFFFFFF  }
0x11: {  	s21 =	sld [smem:$0x3FDB];
	_ =	sdelay $0x1  }
0x12: {  	s5 =	simm.s32 $_scs_section_size  }
0x13: {  	s6 =	simm.s32 $_size__tile_overlayer_lowered;
	s7 =	simm.s32 $_tile_overlayer_lowered  }
0x14: {  	s24 =	simm.s32 $0x1BFF;
	s23 =	sshll.u32 s7, $0x1;
	s4 =	sadd.s32 s5, s21  }
0x15: {  	s8 =	simm.s32 $0x0;
	s22 =	sshll.u32 s6, $0x1;
	s6 =	sadd.s32 s23, s4  }
0x16: {  	[timem:s8], [sflag:s24] =	dma.local [hbm:s6], s22  }
0x17: {  	_ =	swait.ge [sflag:s24], s22  }
0x18: {  	s5 =	ssub.s32 $0x0, s22;
	[sflag:s24] =	ssyncset.done $0x0  }
0x19: {  	[sflag:s24] =	ssyncadd.s32 s5;
	_ =	sdelay $0x1  }
0x1a: {  	s25 =	simm.s32 $0x1B8B  }
0x1b: {  	_ =	swait.ge [sflag:s25], $0x1  }
0x1c: {  	[sflag:s25] =	ssyncset.done $0x0  }
0x1d: {  	s26 =	simm.s32 $0x1B8E;
	[sflag:s25] =	ssyncadd.s32 $0xFFFFFFFF  }
0x1e: {  	s27 =	simm.s32 $execute0_lowered;
	[smem:$0x3FD2] =	sst s26  }
0x1f: {  	s5 =	sshll.u32 s27, $0x1;
	_ =	strace $0x80000046;
	[dreg:$0x1] =	wrdreg $0xFFFFFFFF  }
0x20: {  	s28 =	simm.s32 $_size_execute0_lowered;
	s4 =	sadd.s32 s4, s5;
	[dreg:$0x0] =	wrdreg $0x0  }
0x21: {  	s5 =	sshll.u32 s28, $0x1;
	[dreg:$0x2] =	wrdreg s4  }
0x22: {  	[dreg:$0x3] =	wrdreg s5  }
0x23: {  	[dreg:$0x4] =	wrdreg $0xC0  }
0x24: {  	_ =	task [dreg:s8], $0x5FFFF  }
0x25: {  	[dreg:$0x1] =	wrdreg $0xFFFFFFFF  }
0x26: {  	[dreg:$0x0] =	wrdreg $0x60  }
0x27: {  	[dreg:$0x2] =	wrdreg s2  }
0x28: {  	[dreg:$0x3] =	wrdreg s20  }
0x29: {  	[dreg:$0x4] =	wrdreg $0x9  }
0x2a: {  	_ =	task.clear_ibuf [dreg:s8], $0x5FFFF;
	_ =	strace $0x90000046  }
0x2b: {  	s29 =	simm.s32 $0x9;
	_ =	strace $0x80000048  }
0x2c: {  	_ =	swait.ge [sflag:s29], $0x1  }
0x2d: {  	[sflag:s29] =	ssyncadd.s32 $0xFFFFFFFF  }
0x2e: {  	_ =	strace $0x90000048  }
0x2f: {  	_ =	sfence  }
0x30: {  	s30 =	sld [smem:$0x0];
	_ =	sdelay $0x2  }
0x31: {  	s31 =	sshll.u32 s1, $0xD;
	s1 =	sshrl.u32 s1, $0x2  }
0x32: {  	s3 =	sand.u32 $0x4000, s31;
	s1 =	sadd.s32 s1, s30  }
0x33: {  	s0 =	sor.u32 s3, s0;
	s1 =	sshll.u32 s1, $0x11  }
0x34: {  	s0 =	sor.u32 s1, s0  }
0x35: {  	s0 =	sadd.s32 $0x8F2B, s0  }
0x36: {  	[sflag:s0] =	ssyncadd.remote.s32 $0x1  }
0x37: {  	_ =	sfence.sel $0xFFFF  }
0x38: {  	[dreg:$0x0] =	wrdreg $0xFFFFFFFF;
	(pc) =	sbr.abs _section_cstart, $3  }
0x39: {  	[dreg:$0x1] =	wrdreg $0xFFFFFFFF  }
0x3a: {  	_ =	task.clear_ibuf [dreg:s8], $0x2FFFF;
	_ =	strace $0x9FFFFFFF  }
0x3b: {  	(tm) =	ssettm $0x7FFFFFFF  }
tec
execute0_lowered:
.L_overlay_start_1:
0x0: {  	(tag) =	ssettag $0x1  }
0x1: {  	s2 =	rddreg [dreg:$0x0]  }
0x2: {  	s3 =	rddreg [dreg:$0x1]  }
0x3: {  	s0 =	rddreg [dreg:$0x2];
	s4 =	srdreg.scid  }
.Ltmp0:
0x4: {  	_ =	strace $0x80000047;
	s1 =	stileid.u32;
	(pc) =	sbr.rel .LBB1_1-.Ltmp0, $4  }
0x5: {  	s6 =	simm.s32 $0x2;
	p0 =	por $0x0, $0x0;
	s5 =	sshll.u32 s4, $0x4  }
0x6: {  	s9 =	simm.s32 $0x0;
	s4 =	simm.s32 $0x1;
	s5 =	sand.u32 $0x10, s5  }
0x7: {  	s7 =	simm.s32 $0x0;
	[sflag:s4] =	ssyncpa.u1 $0x0;
	s5 =	sor.u32 s1, s5  }
0x8: {  	[sflag:s6] =	ssyncpa.u1 $0x0;
	s6 =	simm.s32 $0x0;
	s8 =	smov.u32 s5  }
.LBB1_7:
0x9: {  	s11 =	sadd.s32 $0x20, s8  }
0xa: {  	p1 =	slt.u32 s7, $0x2;
	s7 =	sadd.s32 $0x1, s7;
	p2 =	sgt.s32 s11, $0x7FF  }
0xb: {  	s11 =	smov.u32 @p2 s5;
	p2 =	sne.s32 s7, $0x42  }
.Ltmp1:
0xc: {  	_ = 	snop;
	(pc) =	sbr.rel @!p2 .LBB1_8-.Ltmp1, $4  }
0xd: {  	s10 =	simm.s32 @!p1 $0x2  }
0xe: {  	_ =	swait.ge @!p1 [sflag:s10], $0x4000  }
0xf: {  	s9 =	smov.u32 s8;
	[sflag:s10] =	ssyncset.done @!p1 $0x0  }
0x10: {  	p0 =	por !p0, !p0;
	s8 =	smov.u32 s11;
	[sflag:s10] =	ssyncadd.s32 @!p1 $0xFFFFC000  }
.LBB1_1:
0x11: {  	p1 =	sgt.u32 s7, $0x3F  }
0x12: {  	s10 =	sxor.u32 @!p1 $0xFFFFFFFF, s7  }
0x13: {  	s11 =	sshll.u32 @!p1 s8, $0xB;
	s10 =	sshll.u32 @!p1 s10, $0xE  }
0x14: {  	s12 =	simm.s32 @!p1 $0x0;
	s11 =	sadd.s32 @!p1 s2, s11;
	s10 =	sand.u32 @!p1 $0x4000, s10  }
0x15: {  	[tilespmem:s10], [sflag:$0x1] =	stream.linear.gather @!p1 [hbm4b:s11+s12], $0x4000, $0x38;
	[tilespmem:$0x10000] =	vst v63  }
0x16: {  	p1 =	seq.s32 s7, $0x0  }
0x17: {  	p2 =	seq.s32 @!p1 s7, $0x41  }
0x18: {  	p1 =	por p1, p2  }
.Ltmp2:
0x19: {  	_ = 	snop;
	(pc) =	sbr.rel @p1 .LBB1_7-.Ltmp2, $1  }
0x1a: {  	_ =	sdelay $0x3  }
0x1b: {  	s10 =	simm.s32 $0x1;
	_ =	swait.ge [sflag:s4], $0x4000;
	s12 =	sshll.u32 s7, $0xE  }
0x1c: {  	s13 =	simm.s32 $0x0;
	s10 =	simm.s32 @!p0 $0x0;
	[sflag:s4] =	ssyncset.done $0x0  }
0x1d: {  	s12 =	sand.u32 $0x4000, s12;
	s11 =	sshll.u32 s10, $0xE;
	[sflag:s4] =	ssyncadd.s32 $0xFFFFC000  }
0x1e: {  	s12 =	sor.u32 $0x8000, s12;
	s10 =	sor.u32 $0x8040, s11;
	s11 =	sor.u32 $0x40, s11  }
.LBB1_3:
0x1f: {  	v0 =	vmov s11;
	_ =	sdelay $0x3  }
0x20: {  	s15 =	simm.s32 $0x0  }
0x21: {  	v6 =	vld.idx.msk [tilespmem:v0+s15+$0x30 ss:$0x1], $0xffff  }
0x22: {  	v7 =	vld.idx.msk [tilespmem:v0+s15+$0xFFFFFFC0 ss:$0x1], $0xffff  }
0x23: {  	v5 =	vld.idx.msk [tilespmem:v0+s15+$0xFFFFFFD0 ss:$0x1], $0xffff  }
0x24: {  	v4 =	vld.idx.msk [tilespmem:v0+s15+$0xFFFFFFE0 ss:$0x1], $0xffff  }
0x25: {  	v3 =	vld.idx.msk [tilespmem:v0+s15+$0xFFFFFFF0 ss:$0x1], $0xffff  }
0x26: {  	v1 =	vld.idx.msk [tilespmem:v0+s15+$0x0 ss:$0x1], $0xffff  }
0x27: {  	v2 =	vld.idx.msk [tilespmem:v0+s15+$0x10 ss:$0x1], $0xffff;
	[tilespmem:s10+$0x30] =	vst v6  }
0x28: {  	s14 =	simm.s32 $0x80;
	s16 =	simm.s32 $0x400;
	[tilespmem:s10+$0xFFFFFFC0] =	vst v7;
	v6 =	vld.idx.msk [tilespmem:v0+s15+$0x20 ss:$0x1], $0xffff;
	s15 =	smov.u32 s10  }
.LBB1_4:
0x29: {  	p1 =	sne.s32 s16, $0xE00;
	v7 =	vld.idx.msk [tilespmem:v0+s14+$0x30 ss:$0x1], $0xffff;
	[tilespmem:s15+$0xFFFFFFD0] =	vst v5  }
0x2a: {  	v8 =	vld.idx.msk [tilespmem:v0+s14+$0xFFFFFFC0 ss:$0x1], $0xffff;
	[tilespmem:s15+$0xFFFFFFE0] =	vst v4  }
0x2b: {  	v5 =	vld.idx.msk [tilespmem:v0+s14+$0xFFFFFFD0 ss:$0x1], $0xffff;
	[tilespmem:s15+$0xFFFFFFF0] =	vst v3  }
.Ltmp3:
0x2c: {  	v4 =	vld.idx.msk [tilespmem:v0+s14+$0xFFFFFFE0 ss:$0x1], $0xffff;
	[tilespmem:s15+$0x0] =	vst v1;
	(pc) =	sbr.rel @p1 .LBB1_4-.Ltmp3, $4  }
0x2d: {  	v3 =	vld.idx.msk [tilespmem:v0+s14+$0xFFFFFFF0 ss:$0x1], $0xffff;
	[tilespmem:s15+$0x10] =	vst v2  }
0x2e: {  	v1 =	vld.idx.msk [tilespmem:v0+s14+$0x0 ss:$0x1], $0xffff;
	[tilespmem:s15+$0x20] =	vst v6;
	s15 =	sadd.s32 $0x800, s15  }
0x2f: {  	v2 =	vld.idx.msk [tilespmem:v0+s14+$0x10 ss:$0x1], $0xffff;
	[tilespmem:s15+$0x30] =	vst v7  }
0x30: {  	[tilespmem:s15+$0xFFFFFFC0] =	vst v8;
	v6 =	vld.idx.msk [tilespmem:v0+s14+$0x20 ss:$0x1], $0xffff;
	s14 =	sshra.s32 s16, $0x2;
	s16 =	sadd.s32 $0x200, s16  }
0x31: {  	_ =	sdelay $0x2  }
0x32: {  	[tilespmem:s15+$0xFFFFFFD0] =	vst v5  }
0x33: {  	v56 =	vld.idx.msk [tilespmem:v0+s14+$0x30 ss:$0x1], $0xffff;
	[tilespmem:s15+$0xFFFFFFE0] =	vst v4  }
0x34: {  	v57 =	vld.idx.msk [tilespmem:v0+s14+$0xFFFFFFC0 ss:$0x1], $0xffff;
	[tilespmem:s15+$0xFFFFFFF0] =	vst v3  }
0x35: {  	v58 =	vld.idx.msk [tilespmem:v0+s14+$0xFFFFFFD0 ss:$0x1], $0xffff;
	[tilespmem:s15+$0x0] =	vst v1  }
0x36: {  	v59 =	vld.idx.msk [tilespmem:v0+s14+$0xFFFFFFE0 ss:$0x1], $0xffff;
	[tilespmem:s15+$0x10] =	vst v2  }
0x37: {  	v60 =	vld.idx.msk [tilespmem:v0+s14+$0xFFFFFFF0 ss:$0x1], $0xffff;
	s31 =	sadd.s32 $0x800, s15;
	[tilespmem:s15+$0x20] =	vst v6  }
0x38: {  	v61 =	vld.idx.msk [tilespmem:v0+s14+$0x0 ss:$0x1], $0xffff;
	[tilespmem:s31+$0x30] =	vst v56  }
0x39: {  	v62 =	vld.idx.msk [tilespmem:v0+s14+$0x10 ss:$0x1], $0xffff;
	s13 =	sadd.s32 $0x1, s13;
	[tilespmem:s31+$0xFFFFFFC0] =	vst v57  }
0x3a: {  	v63 =	vld.idx.msk [tilespmem:v0+s14+$0x20 ss:$0x1], $0xffff;
	p1 =	sne.s32 s13, $0x10;
	[tilespmem:s31+$0xFFFFFFD0] =	vst v58  }
.Ltmp4:
0x3b: {  	[tilespmem:s31+$0xFFFFFFE0] =	vst v59;
	(pc) =	sbr.rel @p1 .LBB1_3-.Ltmp4, $4  }
0x3c: {  	[tilespmem:s31+$0xFFFFFFF0] =	vst v60  }
0x3d: {  	[tilespmem:s31+$0x0] =	vst v61  }
0x3e: {  	[tilespmem:s31+$0x10] =	vst v62  }
0x3f: {  	s10 =	sadd.s32 $0x80, s10;
	s11 =	sadd.s32 $0x400, s11;
	[tilespmem:s31+$0x20] =	vst v63  }
.Ltmp5:
0x40: {  	(pc) =	sbr.rel .LBB1_7-.Ltmp5, $4  }
0x41: {  	_ = 	snop  }
0x42: {  	s9 =	sshll.u32 s9, $0xB  }
0x43: {  	s9 =	sadd.s32 s3, s9  }
0x44: {  	[hbm4b:s9+s6] =	stream.linear.scatter [tilespmem:s12], [sflag:$0x2], $0x4000, $0x38;
	[tilespmem:$0x10000] =	vst v63  }
.LBB1_8:
0x45: {  	_ =	sfence.sel $0x180000  }
0x46: {  	s2 =	simm.s32 $0x1;
	[bflag:$0x0] =	sbarrier.arrive $0xFFFF  }
0x47: {  	s31 =	simm.s32 $0x2;
	[sflag:s2] =	ssyncpa.u1 $0x1  }
0x48: {  	[sflag:s31] =	ssyncpa.u1 $0x1  }
0x49: {  	p0 =	sne.s32 s1, $0x0;
	_ =	strace $0x90000047  }
0x4a: {  	s0 =	sadd.s32 @!p0 $0x100000, s0;
	[bflag:$0x2] =	sbarrier.arrive $0xFFFF  }
0x4b: {  	[sflag:s0] =	ssyncadd.tile.s32 @!p0 $0x1;
	_ =	shalt  }
.Lfunc_end1:
_tile_overlayer_lowered:
.L_overlay_start_2:
0x4c: {  	(tag) =	ssettag $0x2  }
0x4d: {  	s0 =	rddreg [dreg:$0x0];
	s2 =	stileid.u32  }
0x4e: {  	s1 =	rddreg [dreg:$0x1];
	p0 =	sne.s32 s2, $0x0  }
0x4f: {  	s3 =	rddreg [dreg:$0x2];
	[bflag:$0x3] =	sbarrier.arrive $0xFFFF;
	s2 =	simm.s32 @!p0 $0x1C01  }
0x50: {  	[timem:s3], [sflag:s2] =	dma.local @!p0 [hbm:s0], s1  }
0x51: {  	s0 =	simm.s32 @!p0 $0x1  }
0x52: {  	_ =	swait.ge @!p0 [sflag:s0], s1  }
0x53: {  	s1 =	ssub.s32 @!p0 $0x0, s1;
	[sflag:s0] =	ssyncset.done @!p0 $0x0  }
0x54: {  	[sflag:s0] =	ssyncadd.s32 @!p0 s1  }
0x55: {  	[bflag:$0x3] =	sbarrier.arrive $0xFFFF  }
0x56: {  	_ =	shalt  }

</sc_bundles>
